<compile_context>
chip_gen: v7x
topology: tpu7x:2x2x1
jax: 0.10.2.dev20260603
libtpu: 0.0.44.dev20260713+nightly
codegen_flags: <defaults>
</compile_context>

<pallas_src>
import functools

import jax
import jax.numpy as jnp
from jax import lax
from jax.experimental import pallas as pl
from jax.experimental.pallas import tpu as pltpu
from jax.experimental.pallas import tpu_sc as plsc

N = 10000
D_IN = 128
DK = 16
E = 160000

NC = 2
NS = 16
NW = NC * NS
EPW = E // NW
CH = 125
NCH = EPW // CH
ZCH = 128
RPT = 640
NPAD = NS * RPT

def _fill(ref, rows, val):
    def body(i, _):
        ref[i] = jnp.full((DK,), val, jnp.float32)
        return 0
    lax.fori_loop(0, rows, body, 0)


def _zero_stripe(zbuf_v, acc_sh, s):
    _fill(zbuf_v, ZCH, 0.0)
    for k in range(RPT // ZCH):
        pltpu.sync_copy(zbuf_v, acc_sh.at[pl.ds(s * RPT + k * ZCH, ZCH)])


LAST = N - (NS - 1) * RPT


def _writeback(acc_sh, out0_hbm, out1_hbm, c, s):
    for core, out in ((0, out0_hbm), (1, out1_hbm)):
        @pl.when(jnp.logical_and(c == core, s < NS - 1))
        def _():
            pltpu.sync_copy(acc_sh.at[pl.ds(s * RPT, RPT)],
                            out.at[pl.ds(s * RPT, RPT)])

        @pl.when(jnp.logical_and(c == core, s == NS - 1))
        def _():
            pltpu.sync_copy(acc_sh.at[pl.ds((NS - 1) * RPT, LAST)],
                            out.at[pl.ds((NS - 1) * RPT, LAST)])


@functools.cache
def _sc_kernels():
    mesh = plsc.VectorSubcoreMesh(core_axis_name="c", subcore_axis_name="s")

    out2 = (jax.ShapeDtypeStruct((N, DK), jnp.float32),
            jax.ShapeDtypeStruct((N, DK), jnp.float32))

    @functools.partial(
        pl.kernel,
        out_type=out2,
        mesh=mesh,
        compiler_params=pltpu.CompilerParams(use_tc_tiling_on_sc=False),
        scratch_types=[
            pltpu.VMEM((NCH, CH), jnp.int32),
            pltpu.VMEM((CH, DK), jnp.float32),
            pltpu.VMEM((ZCH, DK), jnp.float32),
            pltpu.VMEM_SHARED((NPAD, DK), jnp.float32),
            pltpu.SemaphoreType.DMA,
            pltpu.SemaphoreType.DMA,
        ],
    )
    def _sc_deg(dst_hbm, out0_hbm, out1_hbm, idx_v, buf_v, zbuf_v, acc_sh,
                sem0, sem1):
        c = lax.axis_index("c")
        s = lax.axis_index("s")
        w = c * NS + s
        pltpu.sync_copy(dst_hbm.at[w], idx_v)
        _zero_stripe(zbuf_v, acc_sh, s)
        plsc.subcore_barrier()
        _fill(buf_v, CH, 1.0)

        pltpu.async_copy(buf_v, acc_sh.at[idx_v.at[0]], sem0, add=True)

        def pair(p, _):
            j0 = 2 * p
            pltpu.async_copy(buf_v, acc_sh.at[idx_v.at[j0 + 1]], sem1,
                             add=True)
            pltpu.make_async_copy(buf_v, acc_sh.at[idx_v.at[j0]], sem0).wait()

            @pl.when(j0 + 2 < NCH)
            def _():
                pltpu.async_copy(buf_v, acc_sh.at[idx_v.at[j0 + 2]], sem0,
                                 add=True)
            pltpu.make_async_copy(buf_v, acc_sh.at[idx_v.at[j0 + 1]],
                                  sem1).wait()
            return 0
        lax.fori_loop(0, NCH // 2, pair, 0)
        plsc.subcore_barrier()
        _writeback(acc_sh, out0_hbm, out1_hbm, c, s)

    @functools.partial(
        pl.kernel,
        out_type=out2,
        mesh=mesh,
        compiler_params=pltpu.CompilerParams(use_tc_tiling_on_sc=False),
        scratch_types=[
            pltpu.VMEM((NCH, CH), jnp.int32),
            pltpu.VMEM((NCH, CH), jnp.int32),
            pltpu.VMEM((CH, DK), jnp.float32),
            pltpu.VMEM((CH, DK), jnp.float32),
            pltpu.VMEM((ZCH, DK), jnp.float32),
            pltpu.VMEM_SHARED((NPAD, DK), jnp.float32),
            pltpu.SemaphoreType.DMA,
            pltpu.SemaphoreType.DMA,
        ],
    )
    def _sc_agg(g_hbm, src_hbm, dst_hbm, out0_hbm, out1_hbm, src_v, dst_v,
                buf0_v, buf1_v, zbuf_v, acc_sh, sem0, sem1):
        c = lax.axis_index("c")
        s = lax.axis_index("s")
        w = c * NS + s
        pltpu.sync_copy(src_hbm.at[w], src_v)
        pltpu.sync_copy(dst_hbm.at[w], dst_v)
        _zero_stripe(zbuf_v, acc_sh, s)
        plsc.subcore_barrier()

        pltpu.async_copy(g_hbm.at[src_v.at[0]], buf0_v, sem0)

        def pair(p, _):
            j0 = 2 * p
            pltpu.async_copy(g_hbm.at[src_v.at[j0 + 1]], buf1_v, sem1)
            pltpu.make_async_copy(g_hbm.at[src_v.at[j0]], buf0_v, sem0).wait()
            pltpu.sync_copy(buf0_v, acc_sh.at[dst_v.at[j0]], add=True)

            @pl.when(j0 + 2 < NCH)
            def _():
                pltpu.async_copy(g_hbm.at[src_v.at[j0 + 2]], buf0_v, sem0)
            pltpu.make_async_copy(g_hbm.at[src_v.at[j0 + 1]], buf1_v,
                                  sem1).wait()
            pltpu.sync_copy(buf1_v, acc_sh.at[dst_v.at[j0 + 1]], add=True)
            return 0
        lax.fori_loop(0, NCH // 2, pair, 0)
        plsc.subcore_barrier()
        _writeback(acc_sh, out0_hbm, out1_hbm, c, s)

    return _sc_deg, _sc_agg


def _tc_prep(x, W, deg0, deg1):
    def body(x_ref, w_ref, d0_ref, d1_ref, g_ref, dinv_ref):
        h = lax.dot_general(x_ref[...], w_ref[...], (((0,), (0,)), ((), ())),
                            preferred_element_type=jnp.float32)
        dinv = lax.rsqrt(d0_ref[...] + d1_ref[...] + 1.0)
        dinv_ref[...] = dinv
        g_ref[...] = h * dinv
    return pl.pallas_call(
        body,
        out_shape=(jax.ShapeDtypeStruct((N, DK), jnp.float32),
                   jax.ShapeDtypeStruct((N, DK), jnp.float32)),
    )(x, W, deg0, deg1)


def _tc_z(a0, a1, g, dinv, b2):
    def body(a0_ref, a1_ref, g_ref, dinv_ref, b_ref, z_ref, zt_ref):
        z = (dinv_ref[...] * (a0_ref[...] + a1_ref[...] + g_ref[...])
             + b_ref[...])
        z_ref[...] = z
        zt_ref[...] = z.T
    return pl.pallas_call(
        body,
        out_shape=(jax.ShapeDtypeStruct((N, DK), jnp.float32),
                   jax.ShapeDtypeStruct((DK, N), jnp.float32)),
    )(a0, a1, g, dinv, b2)


BM = 256


def _tc_decode(z, zt):
    def body(z_ref, zt_ref, o_ref):
        t = jnp.dot(z_ref[...], zt_ref[...], preferred_element_type=jnp.float32)
        o_ref[...] = 1.0 / (1.0 + jnp.exp(-t))
    return pl.pallas_call(
        body,
        grid=(pl.cdiv(N, BM),),
        in_specs=[pl.BlockSpec((BM, DK), lambda i: (i, 0)),
                  pl.BlockSpec((DK, N), lambda i: (0, 0))],
        out_specs=pl.BlockSpec((BM, N), lambda i: (i, 0)),
        out_shape=jax.ShapeDtypeStruct((N, N), jnp.float32),
    )(z, zt)


def kernel(x, edge_index, W_enc, b_enc):
    src3 = edge_index[0].reshape(NW, NCH, CH)
    dst3 = edge_index[1].reshape(NW, NCH, CH)
    sc_deg, sc_agg = _sc_kernels()
    deg0, deg1 = sc_deg(dst3)
    g, dinv = _tc_prep(x, W_enc, deg0, deg1)
    acc0, acc1 = sc_agg(g, src3, dst3)
    z, zt = _tc_z(acc0, acc1, g, dinv, b_enc.reshape(1, DK))
    return _tc_decode(z, zt)

# --- scband reference (transcript-rebuilt; emitter-appended) ---
"""Pipeline reference for scband-graph-autoencoder-31233002177120 (READ-ONLY COPY).

The authoritative reference and input builder live on the scoring server;
editing this copy changes nothing except your own understanding.
"""

import jax, jax.numpy as jnp
import numpy as np

N = 10000
D_IN = 128
D_OUT = 16
E = 160000


def gcn_conv(x, edge_index, W, b):
    # Faithful PyG-style GCNConv: add self-loops, symmetric normalization,
    # linear transform, scatter-add aggregation at dst nodes.
    n = x.shape[0]
    loop = jnp.arange(n, dtype=edge_index.dtype)
    src = jnp.concatenate([edge_index[0], loop])
    dst = jnp.concatenate([edge_index[1], loop])
    h = x @ W
    deg = jnp.zeros((n,), jnp.float32).at[dst].add(1.0)
    dinv = jnp.where(deg > 0, jax.lax.rsqrt(deg), 0.0)
    norm = dinv[src] * dinv[dst]
    msg = h[src] * norm[:, None]
    out = jnp.zeros((n, h.shape[1]), jnp.float32).at[dst].add(msg)
    return out + b


def setup_inputs(seed: int = 0):
    key = jax.random.key(seed)
    k1, k2, k3 = jax.random.split(key, 3)
    x = jax.random.normal(k1, (D_IN, N), dtype=jnp.float32)
    edge_index = jax.random.randint(k2, (2, E), 0, N, dtype=jnp.int32)
    W_enc = jax.random.normal(k3, (D_IN, D_OUT), dtype=jnp.float32) * (1.0 / np.sqrt(D_IN))
    b_enc = jnp.zeros((D_OUT,), dtype=jnp.float32)
    return {"x": x, "edge_index": edge_index, "W_enc": W_enc, "b_enc": b_enc}


def reference(x, edge_index, W_enc, b_enc):
    xt = x.T  # module does x = x.T -> [N, D_IN]
    z = gcn_conv(xt, edge_index, W_enc, b_enc)  # [N, D_OUT]
    adj_pred = jax.nn.sigmoid(z @ z.T)  # [N, N]
    return adj_pred

if __name__ == "__main__":
    import jax
    _d = setup_inputs()
    print(jax.jit(kernel)(*tuple(_d.values())))

</pallas_src>

<mosaic_0001>
#map = affine_map<(d0, d1) -> (0, 0)>
#map1 = affine_map<(d0, d1) -> (0, 0, 0)>
module attributes {stable_mosaic.version = 14 : i64} {
  func.func @_sc_agg(%arg0: i32, %arg1: i32, %arg2: memref<10000x16xf32, #tpu.memory_space<hbm>>, %arg3: memref<32x40x125xi32, #tpu.memory_space<hbm>>, %arg4: memref<32x40x125xi32, #tpu.memory_space<hbm>>, %arg5: memref<10000x16xf32, #tpu.memory_space<hbm>>, %arg6: memref<10000x16xf32, #tpu.memory_space<hbm>>, %arg7: memref<40x125xi32, #tpu.memory_space<vmem>>, %arg8: memref<40x125xi32, #tpu.memory_space<vmem>>, %arg9: memref<125x16xf32, #tpu.memory_space<vmem>>, %arg10: memref<125x16xf32, #tpu.memory_space<vmem>>, %arg11: memref<128x16xf32, #tpu.memory_space<vmem>>, %arg12: memref<10240x16xf32, #tpu.memory_space<vmem_shared>>, %arg13: memref<!tpu.dma_semaphore, #tpu.memory_space<semaphore_mem>>, %arg14: memref<!tpu.dma_semaphore, #tpu.memory_space<semaphore_mem>>) attributes {dimension_semantics = [#tpu.dimension_semantics<core_parallel>, #tpu.dimension_semantics<subcore_parallel>], iteration_bounds = array<i64: 2, 16>, scalar_prefetch = 0 : i64, scratch_operands = 8 : i64, tpu.core_type = #tpu.core_type<sc_vector_subcore>, window_params = [{transform_indices = #map}, {transform_indices = #map1}, {transform_indices = #map1}, {transform_indices = #map}, {transform_indices = #map}]} {
    %mul3A = arith.constant 16 : i32
    %mul3A_0 = arith.muli %arg0, %mul3A : i32
    %add3A = arith.addi %mul3A_0, %arg1 : i32
    "tpu.region"() ({
      %run_scoped3A = tpu.sem_alloc : memref<!tpu.dma_semaphore, #tpu.memory_space<semaphore_mem>>
      %dma_start3A_68 = arith.constant 0 : i32
      %dma_start3A_69 = arith.constant 0 : i32
      %dma_start3A_70 = tpu.memref_slice %arg3[%add3A, %dma_start3A_68, %dma_start3A_69] : memref<32x40x125xi32, #tpu.memory_space<hbm>> -> memref<1x40x125xi32, #tpu.memory_space<hbm>>
      %dma_start3A_71 = tpu.memref_squeeze %dma_start3A_70 : memref<1x40x125xi32, #tpu.memory_space<hbm>> -> memref<40x125xi32, #tpu.memory_space<hbm>>
      %dma_start3A_72 = arith.constant 0 : i32
      %dma_start3A_73 = arith.constant 0 : i32
      %dma_start3A_74 = tpu.memref_slice %arg3[%add3A, %dma_start3A_72, %dma_start3A_73] : memref<32x40x125xi32, #tpu.memory_space<hbm>> -> memref<1x40x125xi32, #tpu.memory_space<hbm>>
      %dma_start3A_75 = tpu.memref_squeeze %dma_start3A_74 : memref<1x40x125xi32, #tpu.memory_space<hbm>> -> memref<40x125xi32, #tpu.memory_space<hbm>>
      tpu.enqueue_dma source(%dma_start3A_75 : memref<40x125xi32, #tpu.memory_space<hbm>>) target(%arg7 : memref<40x125xi32, #tpu.memory_space<vmem>>) target_semaphore(%run_scoped3A : memref<!tpu.dma_semaphore, #tpu.memory_space<semaphore_mem>>)
      %dma_wait3A = arith.constant 0 : i32
      %dma_wait3A_76 = arith.constant 0 : i32
      %dma_wait3A_77 = tpu.memref_slice %arg3[%add3A, %dma_wait3A, %dma_wait3A_76] : memref<32x40x125xi32, #tpu.memory_space<hbm>> -> memref<1x40x125xi32, #tpu.memory_space<hbm>>
      %dma_wait3A_78 = tpu.memref_squeeze %dma_wait3A_77 : memref<1x40x125xi32, #tpu.memory_space<hbm>> -> memref<40x125xi32, #tpu.memory_space<hbm>>
      %dma_wait3A_79 = arith.constant 0 : i32
      %dma_wait3A_80 = arith.constant 0 : i32
      %dma_wait3A_81 = tpu.memref_slice %arg3[%add3A, %dma_wait3A_79, %dma_wait3A_80] : memref<32x40x125xi32, #tpu.memory_space<hbm>> -> memref<1x40x125xi32, #tpu.memory_space<hbm>>
      %dma_wait3A_82 = tpu.memref_squeeze %dma_wait3A_81 : memref<1x40x125xi32, #tpu.memory_space<hbm>> -> memref<40x125xi32, #tpu.memory_space<hbm>>
      tpu.wait_dma2 semaphore(%run_scoped3A : memref<!tpu.dma_semaphore, #tpu.memory_space<semaphore_mem>>) src(%dma_wait3A_82 : memref<40x125xi32, #tpu.memory_space<hbm>>) dst(%arg7 : memref<40x125xi32, #tpu.memory_space<vmem>>)
      tpu.yield
    }) : () -> ()
    "tpu.region"() ({
      %run_scoped3A = tpu.sem_alloc : memref<!tpu.dma_semaphore, #tpu.memory_space<semaphore_mem>>
      %dma_start3A_68 = arith.constant 0 : i32
      %dma_start3A_69 = arith.constant 0 : i32
      %dma_start3A_70 = tpu.memref_slice %arg4[%add3A, %dma_start3A_68, %dma_start3A_69] : memref<32x40x125xi32, #tpu.memory_space<hbm>> -> memref<1x40x125xi32, #tpu.memory_space<hbm>>
      %dma_start3A_71 = tpu.memref_squeeze %dma_start3A_70 : memref<1x40x125xi32, #tpu.memory_space<hbm>> -> memref<40x125xi32, #tpu.memory_space<hbm>>
      %dma_start3A_72 = arith.constant 0 : i32
      %dma_start3A_73 = arith.constant 0 : i32
      %dma_start3A_74 = tpu.memref_slice %arg4[%add3A, %dma_start3A_72, %dma_start3A_73] : memref<32x40x125xi32, #tpu.memory_space<hbm>> -> memref<1x40x125xi32, #tpu.memory_space<hbm>>
      %dma_start3A_75 = tpu.memref_squeeze %dma_start3A_74 : memref<1x40x125xi32, #tpu.memory_space<hbm>> -> memref<40x125xi32, #tpu.memory_space<hbm>>
      tpu.enqueue_dma source(%dma_start3A_75 : memref<40x125xi32, #tpu.memory_space<hbm>>) target(%arg8 : memref<40x125xi32, #tpu.memory_space<vmem>>) target_semaphore(%run_scoped3A : memref<!tpu.dma_semaphore, #tpu.memory_space<semaphore_mem>>)
      %dma_wait3A = arith.constant 0 : i32
      %dma_wait3A_76 = arith.constant 0 : i32
      %dma_wait3A_77 = tpu.memref_slice %arg4[%add3A, %dma_wait3A, %dma_wait3A_76] : memref<32x40x125xi32, #tpu.memory_space<hbm>> -> memref<1x40x125xi32, #tpu.memory_space<hbm>>
      %dma_wait3A_78 = tpu.memref_squeeze %dma_wait3A_77 : memref<1x40x125xi32, #tpu.memory_space<hbm>> -> memref<40x125xi32, #tpu.memory_space<hbm>>
      %dma_wait3A_79 = arith.constant 0 : i32
      %dma_wait3A_80 = arith.constant 0 : i32
      %dma_wait3A_81 = tpu.memref_slice %arg4[%add3A, %dma_wait3A_79, %dma_wait3A_80] : memref<32x40x125xi32, #tpu.memory_space<hbm>> -> memref<1x40x125xi32, #tpu.memory_space<hbm>>
      %dma_wait3A_82 = tpu.memref_squeeze %dma_wait3A_81 : memref<1x40x125xi32, #tpu.memory_space<hbm>> -> memref<40x125xi32, #tpu.memory_space<hbm>>
      tpu.wait_dma2 semaphore(%run_scoped3A : memref<!tpu.dma_semaphore, #tpu.memory_space<semaphore_mem>>) src(%dma_wait3A_82 : memref<40x125xi32, #tpu.memory_space<hbm>>) dst(%arg8 : memref<40x125xi32, #tpu.memory_space<vmem>>)
      tpu.yield
    }) : () -> ()
    %scan3A = arith.constant 0 : i32
    %scan3A_1 = arith.constant 0 : i32
    %scan3A_2 = arith.constant 128 : i32
    %scan3A_3 = arith.addi %scan3A_1, %scan3A_2 : i32
    %scan3A_4 = arith.constant 1 : i32
    %scan3A_5 = scf.for %scan3A_68 = %scan3A_1 to %scan3A_3 step %scan3A_4 iter_args(%scan3A_69 = %scan3A) -> (i32)  : i32 {
      %broadcast_in_dim3A = arith.constant 0.000000e+00 : f32
      %broadcast_in_dim3A_70 = vector.broadcast %broadcast_in_dim3A : f32 to vector<16xf32>
      %swap3A = arith.index_cast %scan3A_68 : i32 to index
      %swap3A_71 = arith.constant 0 : index
      %swap3A_72 = tpu.vector_load %arg11[%swap3A, %swap3A_71] {strides = array<i32>} : memref<128x16xf32, #tpu.memory_space<vmem>>, vector<1x16xf32>,
      %swap3A_73 = vector.shape_cast %swap3A_72 : vector<1x16xf32> to vector<16xf32>
      %swap3A_74 = vector.shape_cast %broadcast_in_dim3A_70 : vector<16xf32> to vector<1x16xf32>
      tpu.vector_store %arg11[%swap3A, %swap3A_71], %swap3A_74 {strides = array<i32>} : memref<128x16xf32, #tpu.memory_space<vmem>>, vector<1x16xf32>,
      %scan3A_75 = arith.constant 0 : i32
      scf.yield %scan3A_75 : i32
    }
    %scan3A_6 = arith.constant 128 : i32
    %mul3A_7 = arith.constant 640 : i32
    %mul3A_8 = arith.muli %arg1, %mul3A_7 : i32
    %add3A_9 = arith.constant 0 : i32
    %add3A_10 = arith.addi %mul3A_8, %add3A_9 : i32
    "tpu.region"() ({
      %run_scoped3A = tpu.sem_alloc : memref<!tpu.dma_semaphore, #tpu.memory_space<semaphore_mem>>
      %dma_start3A_68 = arith.constant 0 : i32
      %dma_start3A_69 = tpu.memref_slice %arg12[%add3A_10, %dma_start3A_68] : memref<10240x16xf32, #tpu.memory_space<vmem_shared>> -> memref<128x16xf32, #tpu.memory_space<vmem_shared>>
      %dma_start3A_70 = arith.constant 0 : i32
      %dma_start3A_71 = tpu.memref_slice %arg12[%add3A_10, %dma_start3A_70] : memref<10240x16xf32, #tpu.memory_space<vmem_shared>> -> memref<128x16xf32, #tpu.memory_space<vmem_shared>>
      tpu.enqueue_dma source(%arg11 : memref<128x16xf32, #tpu.memory_space<vmem>>) target(%dma_start3A_71 : memref<128x16xf32, #tpu.memory_space<vmem_shared>>) target_semaphore(%run_scoped3A : memref<!tpu.dma_semaphore, #tpu.memory_space<semaphore_mem>>)
      %dma_wait3A = arith.constant 0 : i32
      %dma_wait3A_72 = tpu.memref_slice %arg12[%add3A_10, %dma_wait3A] : memref<10240x16xf32, #tpu.memory_space<vmem_shared>> -> memref<128x16xf32, #tpu.memory_space<vmem_shared>>
      %dma_wait3A_73 = arith.constant 0 : i32
      %dma_wait3A_74 = tpu.memref_slice %arg12[%add3A_10, %dma_wait3A_73] : memref<10240x16xf32, #tpu.memory_space<vmem_shared>> -> memref<128x16xf32, #tpu.memory_space<vmem_shared>>
      tpu.wait_dma2 semaphore(%run_scoped3A : memref<!tpu.dma_semaphore, #tpu.memory_space<semaphore_mem>>) src(%arg11 : memref<128x16xf32, #tpu.memory_space<vmem>>) dst(%dma_wait3A_74 : memref<128x16xf32, #tpu.memory_space<vmem_shared>>)
      tpu.yield
    }) : () -> ()
    %mul3A_11 = arith.constant 640 : i32
    %mul3A_12 = arith.muli %arg1, %mul3A_11 : i32
    %add3A_13 = arith.constant 128 : i32
    %add3A_14 = arith.addi %mul3A_12, %add3A_13 : i32
    "tpu.region"() ({
      %run_scoped3A = tpu.sem_alloc : memref<!tpu.dma_semaphore, #tpu.memory_space<semaphore_mem>>
      %dma_start3A_68 = arith.constant 0 : i32
      %dma_start3A_69 = tpu.memref_slice %arg12[%add3A_14, %dma_start3A_68] : memref<10240x16xf32, #tpu.memory_space<vmem_shared>> -> memref<128x16xf32, #tpu.memory_space<vmem_shared>>
      %dma_start3A_70 = arith.constant 0 : i32
      %dma_start3A_71 = tpu.memref_slice %arg12[%add3A_14, %dma_start3A_70] : memref<10240x16xf32, #tpu.memory_space<vmem_shared>> -> memref<128x16xf32, #tpu.memory_space<vmem_shared>>
      tpu.enqueue_dma source(%arg11 : memref<128x16xf32, #tpu.memory_space<vmem>>) target(%dma_start3A_71 : memref<128x16xf32, #tpu.memory_space<vmem_shared>>) target_semaphore(%run_scoped3A : memref<!tpu.dma_semaphore, #tpu.memory_space<semaphore_mem>>)
      %dma_wait3A = arith.constant 0 : i32
      %dma_wait3A_72 = tpu.memref_slice %arg12[%add3A_14, %dma_wait3A] : memref<10240x16xf32, #tpu.memory_space<vmem_shared>> -> memref<128x16xf32, #tpu.memory_space<vmem_shared>>
      %dma_wait3A_73 = arith.constant 0 : i32
      %dma_wait3A_74 = tpu.memref_slice %arg12[%add3A_14, %dma_wait3A_73] : memref<10240x16xf32, #tpu.memory_space<vmem_shared>> -> memref<128x16xf32, #tpu.memory_space<vmem_shared>>
      tpu.wait_dma2 semaphore(%run_scoped3A : memref<!tpu.dma_semaphore, #tpu.memory_space<semaphore_mem>>) src(%arg11 : memref<128x16xf32, #tpu.memory_space<vmem>>) dst(%dma_wait3A_74 : memref<128x16xf32, #tpu.memory_space<vmem_shared>>)
      tpu.yield
    }) : () -> ()
    %mul3A_15 = arith.constant 640 : i32
    %mul3A_16 = arith.muli %arg1, %mul3A_15 : i32
    %add3A_17 = arith.constant 256 : i32
    %add3A_18 = arith.addi %mul3A_16, %add3A_17 : i32
    "tpu.region"() ({
      %run_scoped3A = tpu.sem_alloc : memref<!tpu.dma_semaphore, #tpu.memory_space<semaphore_mem>>
      %dma_start3A_68 = arith.constant 0 : i32
      %dma_start3A_69 = tpu.memref_slice %arg12[%add3A_18, %dma_start3A_68] : memref<10240x16xf32, #tpu.memory_space<vmem_shared>> -> memref<128x16xf32, #tpu.memory_space<vmem_shared>>
      %dma_start3A_70 = arith.constant 0 : i32
      %dma_start3A_71 = tpu.memref_slice %arg12[%add3A_18, %dma_start3A_70] : memref<10240x16xf32, #tpu.memory_space<vmem_shared>> -> memref<128x16xf32, #tpu.memory_space<vmem_shared>>
      tpu.enqueue_dma source(%arg11 : memref<128x16xf32, #tpu.memory_space<vmem>>) target(%dma_start3A_71 : memref<128x16xf32, #tpu.memory_space<vmem_shared>>) target_semaphore(%run_scoped3A : memref<!tpu.dma_semaphore, #tpu.memory_space<semaphore_mem>>)
      %dma_wait3A = arith.constant 0 : i32
      %dma_wait3A_72 = tpu.memref_slice %arg12[%add3A_18, %dma_wait3A] : memref<10240x16xf32, #tpu.memory_space<vmem_shared>> -> memref<128x16xf32, #tpu.memory_space<vmem_shared>>
      %dma_wait3A_73 = arith.constant 0 : i32
      %dma_wait3A_74 = tpu.memref_slice %arg12[%add3A_18, %dma_wait3A_73] : memref<10240x16xf32, #tpu.memory_space<vmem_shared>> -> memref<128x16xf32, #tpu.memory_space<vmem_shared>>
      tpu.wait_dma2 semaphore(%run_scoped3A : memref<!tpu.dma_semaphore, #tpu.memory_space<semaphore_mem>>) src(%arg11 : memref<128x16xf32, #tpu.memory_space<vmem>>) dst(%dma_wait3A_74 : memref<128x16xf32, #tpu.memory_space<vmem_shared>>)
      tpu.yield
    }) : () -> ()
    %mul3A_19 = arith.constant 640 : i32
    %mul3A_20 = arith.muli %arg1, %mul3A_19 : i32
    %add3A_21 = arith.constant 384 : i32
    %add3A_22 = arith.addi %mul3A_20, %add3A_21 : i32
    "tpu.region"() ({
      %run_scoped3A = tpu.sem_alloc : memref<!tpu.dma_semaphore, #tpu.memory_space<semaphore_mem>>
      %dma_start3A_68 = arith.constant 0 : i32
      %dma_start3A_69 = tpu.memref_slice %arg12[%add3A_22, %dma_start3A_68] : memref<10240x16xf32, #tpu.memory_space<vmem_shared>> -> memref<128x16xf32, #tpu.memory_space<vmem_shared>>
      %dma_start3A_70 = arith.constant 0 : i32
      %dma_start3A_71 = tpu.memref_slice %arg12[%add3A_22, %dma_start3A_70] : memref<10240x16xf32, #tpu.memory_space<vmem_shared>> -> memref<128x16xf32, #tpu.memory_space<vmem_shared>>
      tpu.enqueue_dma source(%arg11 : memref<128x16xf32, #tpu.memory_space<vmem>>) target(%dma_start3A_71 : memref<128x16xf32, #tpu.memory_space<vmem_shared>>) target_semaphore(%run_scoped3A : memref<!tpu.dma_semaphore, #tpu.memory_space<semaphore_mem>>)
      %dma_wait3A = arith.constant 0 : i32
      %dma_wait3A_72 = tpu.memref_slice %arg12[%add3A_22, %dma_wait3A] : memref<10240x16xf32, #tpu.memory_space<vmem_shared>> -> memref<128x16xf32, #tpu.memory_space<vmem_shared>>
      %dma_wait3A_73 = arith.constant 0 : i32
      %dma_wait3A_74 = tpu.memref_slice %arg12[%add3A_22, %dma_wait3A_73] : memref<10240x16xf32, #tpu.memory_space<vmem_shared>> -> memref<128x16xf32, #tpu.memory_space<vmem_shared>>
      tpu.wait_dma2 semaphore(%run_scoped3A : memref<!tpu.dma_semaphore, #tpu.memory_space<semaphore_mem>>) src(%arg11 : memref<128x16xf32, #tpu.memory_space<vmem>>) dst(%dma_wait3A_74 : memref<128x16xf32, #tpu.memory_space<vmem_shared>>)
      tpu.yield
    }) : () -> ()
    %mul3A_23 = arith.constant 640 : i32
    %mul3A_24 = arith.muli %arg1, %mul3A_23 : i32
    %add3A_25 = arith.constant 512 : i32
    %add3A_26 = arith.addi %mul3A_24, %add3A_25 : i32
    "tpu.region"() ({
      %run_scoped3A = tpu.sem_alloc : memref<!tpu.dma_semaphore, #tpu.memory_space<semaphore_mem>>
      %dma_start3A_68 = arith.constant 0 : i32
      %dma_start3A_69 = tpu.memref_slice %arg12[%add3A_26, %dma_start3A_68] : memref<10240x16xf32, #tpu.memory_space<vmem_shared>> -> memref<128x16xf32, #tpu.memory_space<vmem_shared>>
      %dma_start3A_70 = arith.constant 0 : i32
      %dma_start3A_71 = tpu.memref_slice %arg12[%add3A_26, %dma_start3A_70] : memref<10240x16xf32, #tpu.memory_space<vmem_shared>> -> memref<128x16xf32, #tpu.memory_space<vmem_shared>>
      tpu.enqueue_dma source(%arg11 : memref<128x16xf32, #tpu.memory_space<vmem>>) target(%dma_start3A_71 : memref<128x16xf32, #tpu.memory_space<vmem_shared>>) target_semaphore(%run_scoped3A : memref<!tpu.dma_semaphore, #tpu.memory_space<semaphore_mem>>)
      %dma_wait3A = arith.constant 0 : i32
      %dma_wait3A_72 = tpu.memref_slice %arg12[%add3A_26, %dma_wait3A] : memref<10240x16xf32, #tpu.memory_space<vmem_shared>> -> memref<128x16xf32, #tpu.memory_space<vmem_shared>>
      %dma_wait3A_73 = arith.constant 0 : i32
      %dma_wait3A_74 = tpu.memref_slice %arg12[%add3A_26, %dma_wait3A_73] : memref<10240x16xf32, #tpu.memory_space<vmem_shared>> -> memref<128x16xf32, #tpu.memory_space<vmem_shared>>
      tpu.wait_dma2 semaphore(%run_scoped3A : memref<!tpu.dma_semaphore, #tpu.memory_space<semaphore_mem>>) src(%arg11 : memref<128x16xf32, #tpu.memory_space<vmem>>) dst(%dma_wait3A_74 : memref<128x16xf32, #tpu.memory_space<vmem_shared>>)
      tpu.yield
    }) : () -> ()
    %barrier3A = arith.constant 0 : index
    tpu.barrier barrier_id(%barrier3A)
    %dma_start3A = arith.constant 0 : i32
    %dma_start3A_27 = arith.constant 0 : i32
    %dma_start3A_28 = tpu.memref_slice %arg7[%dma_start3A, %dma_start3A_27] : memref<40x125xi32, #tpu.memory_space<vmem>> -> memref<1x125xi32, #tpu.memory_space<vmem>>
    %dma_start3A_29 = tpu.memref_squeeze %dma_start3A_28 : memref<1x125xi32, #tpu.memory_space<vmem>> -> memref<125xi32, #tpu.memory_space<vmem>>
    %dma_start3A_30 = arith.constant 0 : i32
    %dma_start3A_31 = arith.constant 0 : i32
    %dma_start3A_32 = tpu.memref_slice %arg2[%dma_start3A_30, %dma_start3A_31] : memref<10000x16xf32, #tpu.memory_space<hbm>> -> memref<10000x16xf32, #tpu.memory_space<hbm>>
    tpu.enqueue_indirect_dma source(%dma_start3A_32 : memref<10000x16xf32, #tpu.memory_space<hbm>>) target(%arg9 : memref<125x16xf32, #tpu.memory_space<vmem>>) offsets(%dma_start3A_29 : memref<125xi32, #tpu.memory_space<vmem>>) semaphore(%arg13 : memref<!tpu.dma_semaphore, #tpu.memory_space<semaphore_mem>>)
    %scan3A_33 = arith.constant 0 : i32
    %scan3A_34 = arith.constant 0 : i32
    %scan3A_35 = arith.constant 20 : i32
    %scan3A_36 = arith.addi %scan3A_34, %scan3A_35 : i32
    %scan3A_37 = arith.constant 1 : i32
    %scan3A_38 = scf.for %scan3A_68 = %scan3A_34 to %scan3A_36 step %scan3A_37 iter_args(%scan3A_69 = %scan3A_33) -> (i32)  : i32 {
      %mul3A_70 = arith.constant 2 : i32
      %mul3A_71 = arith.muli %mul3A_70, %scan3A_68 : i32
      %add3A_72 = arith.constant 1 : i32
      %add3A_73 = arith.addi %mul3A_71, %add3A_72 : i32
      %dma_start3A_74 = arith.constant 0 : i32
      %dma_start3A_75 = tpu.memref_slice %arg7[%add3A_73, %dma_start3A_74] : memref<40x125xi32, #tpu.memory_space<vmem>> -> memref<1x125xi32, #tpu.memory_space<vmem>>
      %dma_start3A_76 = tpu.memref_squeeze %dma_start3A_75 : memref<1x125xi32, #tpu.memory_space<vmem>> -> memref<125xi32, #tpu.memory_space<vmem>>
      %dma_start3A_77 = arith.constant 0 : i32
      %dma_start3A_78 = arith.constant 0 : i32
      %dma_start3A_79 = tpu.memref_slice %arg2[%dma_start3A_77, %dma_start3A_78] : memref<10000x16xf32, #tpu.memory_space<hbm>> -> memref<10000x16xf32, #tpu.memory_space<hbm>>
      tpu.enqueue_indirect_dma source(%dma_start3A_79 : memref<10000x16xf32, #tpu.memory_space<hbm>>) target(%arg10 : memref<125x16xf32, #tpu.memory_space<vmem>>) offsets(%dma_start3A_76 : memref<125xi32, #tpu.memory_space<vmem>>) semaphore(%arg14 : memref<!tpu.dma_semaphore, #tpu.memory_space<semaphore_mem>>)
      %dma_wait3A = arith.constant 0 : i32
      %dma_wait3A_80 = tpu.memref_slice %arg7[%mul3A_71, %dma_wait3A] : memref<40x125xi32, #tpu.memory_space<vmem>> -> memref<1x125xi32, #tpu.memory_space<vmem>>
      %dma_wait3A_81 = tpu.memref_squeeze %dma_wait3A_80 : memref<1x125xi32, #tpu.memory_space<vmem>> -> memref<125xi32, #tpu.memory_space<vmem>>
      %dma_wait3A_82 = arith.constant 0 : i32
      %dma_wait3A_83 = arith.constant 0 : i32
      %dma_wait3A_84 = tpu.memref_slice %arg2[%dma_wait3A_82, %dma_wait3A_83] : memref<10000x16xf32, #tpu.memory_space<hbm>> -> memref<10000x16xf32, #tpu.memory_space<hbm>>
      tpu.wait_indirect_dma semaphore(%arg13 : memref<!tpu.dma_semaphore, #tpu.memory_space<semaphore_mem>>) src(%dma_wait3A_84 : memref<10000x16xf32, #tpu.memory_space<hbm>>) dst(%arg9 : memref<125x16xf32, #tpu.memory_space<vmem>>)
      "tpu.region"() ({
        %run_scoped3A = tpu.sem_alloc : memref<!tpu.dma_semaphore, #tpu.memory_space<semaphore_mem>>
        %dma_start3A_103 = arith.constant 0 : i32
        %dma_start3A_104 = tpu.memref_slice %arg8[%mul3A_71, %dma_start3A_103] : memref<40x125xi32, #tpu.memory_space<vmem>> -> memref<1x125xi32, #tpu.memory_space<vmem>>
        %dma_start3A_105 = tpu.memref_squeeze %dma_start3A_104 : memref<1x125xi32, #tpu.memory_space<vmem>> -> memref<125xi32, #tpu.memory_space<vmem>>
        %dma_start3A_106 = arith.constant 0 : i32
        %dma_start3A_107 = arith.constant 0 : i32
        %dma_start3A_108 = tpu.memref_slice %arg12[%dma_start3A_106, %dma_start3A_107] : memref<10240x16xf32, #tpu.memory_space<vmem_shared>> -> memref<10240x16xf32, #tpu.memory_space<vmem_shared>>
        tpu.enqueue_indirect_dma source(%arg9 : memref<125x16xf32, #tpu.memory_space<vmem>>) target(%dma_start3A_108 : memref<10240x16xf32, #tpu.memory_space<vmem_shared>>) offsets(%dma_start3A_105 : memref<125xi32, #tpu.memory_space<vmem>>) semaphore(%run_scoped3A : memref<!tpu.dma_semaphore, #tpu.memory_space<semaphore_mem>>) {add = true}
        %dma_wait3A_109 = arith.constant 0 : i32
        %dma_wait3A_110 = tpu.memref_slice %arg8[%mul3A_71, %dma_wait3A_109] : memref<40x125xi32, #tpu.memory_space<vmem>> -> memref<1x125xi32, #tpu.memory_space<vmem>>
        %dma_wait3A_111 = tpu.memref_squeeze %dma_wait3A_110 : memref<1x125xi32, #tpu.memory_space<vmem>> -> memref<125xi32, #tpu.memory_space<vmem>>
        %dma_wait3A_112 = arith.constant 0 : i32
        %dma_wait3A_113 = arith.constant 0 : i32
        %dma_wait3A_114 = tpu.memref_slice %arg12[%dma_wait3A_112, %dma_wait3A_113] : memref<10240x16xf32, #tpu.memory_space<vmem_shared>> -> memref<10240x16xf32, #tpu.memory_space<vmem_shared>>
        tpu.wait_indirect_dma semaphore(%run_scoped3A : memref<!tpu.dma_semaphore, #tpu.memory_space<semaphore_mem>>) src(%arg9 : memref<125x16xf32, #tpu.memory_space<vmem>>) dst(%dma_wait3A_114 : memref<10240x16xf32, #tpu.memory_space<vmem_shared>>)
        tpu.yield
      }) : () -> ()
      %add3A_85 = arith.constant 2 : i32
      %add3A_86 = arith.addi %mul3A_71, %add3A_85 : i32
      %lt3A_87 = arith.constant 40 : i32
      %lt3A_88 = arith.cmpi slt, %add3A_86, %lt3A_87 : i32
      %convert_element_type3A_89 = arith.extui %lt3A_88 : i1 to i32
      %cond3A_90 = arith.constant 0 : i32
      %cond3A_91 = arith.cmpi ne, %convert_element_type3A_89, %cond3A_90 : i32
      scf.if %cond3A_91 {
        %add3A_103 = arith.constant 2 : i32
        %add3A_104 = arith.addi %mul3A_71, %add3A_103 : i32
        %dma_start3A_105 = arith.constant 0 : i32
        %dma_start3A_106 = tpu.memref_slice %arg7[%add3A_104, %dma_start3A_105] : memref<40x125xi32, #tpu.memory_space<vmem>> -> memref<1x125xi32, #tpu.memory_space<vmem>>
        %dma_start3A_107 = tpu.memref_squeeze %dma_start3A_106 : memref<1x125xi32, #tpu.memory_space<vmem>> -> memref<125xi32, #tpu.memory_space<vmem>>
        %dma_start3A_108 = arith.constant 0 : i32
        %dma_start3A_109 = arith.constant 0 : i32
        %dma_start3A_110 = tpu.memref_slice %arg2[%dma_start3A_108, %dma_start3A_109] : memref<10000x16xf32, #tpu.memory_space<hbm>> -> memref<10000x16xf32, #tpu.memory_space<hbm>>
        tpu.enqueue_indirect_dma source(%dma_start3A_110 : memref<10000x16xf32, #tpu.memory_space<hbm>>) target(%arg9 : memref<125x16xf32, #tpu.memory_space<vmem>>) offsets(%dma_start3A_107 : memref<125xi32, #tpu.memory_space<vmem>>) semaphore(%arg13 : memref<!tpu.dma_semaphore, #tpu.memory_space<semaphore_mem>>)
      } else {
      }
      %add3A_92 = arith.constant 1 : i32
      %add3A_93 = arith.addi %mul3A_71, %add3A_92 : i32
      %dma_wait3A_94 = arith.constant 0 : i32
      %dma_wait3A_95 = tpu.memref_slice %arg7[%add3A_93, %dma_wait3A_94] : memref<40x125xi32, #tpu.memory_space<vmem>> -> memref<1x125xi32, #tpu.memory_space<vmem>>
      %dma_wait3A_96 = tpu.memref_squeeze %dma_wait3A_95 : memref<1x125xi32, #tpu.memory_space<vmem>> -> memref<125xi32, #tpu.memory_space<vmem>>
      %dma_wait3A_97 = arith.constant 0 : i32
      %dma_wait3A_98 = arith.constant 0 : i32
      %dma_wait3A_99 = tpu.memref_slice %arg2[%dma_wait3A_97, %dma_wait3A_98] : memref<10000x16xf32, #tpu.memory_space<hbm>> -> memref<10000x16xf32, #tpu.memory_space<hbm>>
      tpu.wait_indirect_dma semaphore(%arg14 : memref<!tpu.dma_semaphore, #tpu.memory_space<semaphore_mem>>) src(%dma_wait3A_99 : memref<10000x16xf32, #tpu.memory_space<hbm>>) dst(%arg10 : memref<125x16xf32, #tpu.memory_space<vmem>>)
      %add3A_100 = arith.constant 1 : i32
      %add3A_101 = arith.addi %mul3A_71, %add3A_100 : i32
      "tpu.region"() ({
        %run_scoped3A = tpu.sem_alloc : memref<!tpu.dma_semaphore, #tpu.memory_space<semaphore_mem>>
        %dma_start3A_103 = arith.constant 0 : i32
        %dma_start3A_104 = tpu.memref_slice %arg8[%add3A_101, %dma_start3A_103] : memref<40x125xi32, #tpu.memory_space<vmem>> -> memref<1x125xi32, #tpu.memory_space<vmem>>
        %dma_start3A_105 = tpu.memref_squeeze %dma_start3A_104 : memref<1x125xi32, #tpu.memory_space<vmem>> -> memref<125xi32, #tpu.memory_space<vmem>>
        %dma_start3A_106 = arith.constant 0 : i32
        %dma_start3A_107 = arith.constant 0 : i32
        %dma_start3A_108 = tpu.memref_slice %arg12[%dma_start3A_106, %dma_start3A_107] : memref<10240x16xf32, #tpu.memory_space<vmem_shared>> -> memref<10240x16xf32, #tpu.memory_space<vmem_shared>>
        tpu.enqueue_indirect_dma source(%arg10 : memref<125x16xf32, #tpu.memory_space<vmem>>) target(%dma_start3A_108 : memref<10240x16xf32, #tpu.memory_space<vmem_shared>>) offsets(%dma_start3A_105 : memref<125xi32, #tpu.memory_space<vmem>>) semaphore(%run_scoped3A : memref<!tpu.dma_semaphore, #tpu.memory_space<semaphore_mem>>) {add = true}
        %dma_wait3A_109 = arith.constant 0 : i32
        %dma_wait3A_110 = tpu.memref_slice %arg8[%add3A_101, %dma_wait3A_109] : memref<40x125xi32, #tpu.memory_space<vmem>> -> memref<1x125xi32, #tpu.memory_space<vmem>>
        %dma_wait3A_111 = tpu.memref_squeeze %dma_wait3A_110 : memref<1x125xi32, #tpu.memory_space<vmem>> -> memref<125xi32, #tpu.memory_space<vmem>>
        %dma_wait3A_112 = arith.constant 0 : i32
        %dma_wait3A_113 = arith.constant 0 : i32
        %dma_wait3A_114 = tpu.memref_slice %arg12[%dma_wait3A_112, %dma_wait3A_113] : memref<10240x16xf32, #tpu.memory_space<vmem_shared>> -> memref<10240x16xf32, #tpu.memory_space<vmem_shared>>
        tpu.wait_indirect_dma semaphore(%run_scoped3A : memref<!tpu.dma_semaphore, #tpu.memory_space<semaphore_mem>>) src(%arg10 : memref<125x16xf32, #tpu.memory_space<vmem>>) dst(%dma_wait3A_114 : memref<10240x16xf32, #tpu.memory_space<vmem_shared>>)
        tpu.yield
      }) : () -> ()
      %scan3A_102 = arith.constant 0 : i32
      scf.yield %scan3A_102 : i32
    }
    %scan3A_39 = arith.constant 20 : i32
    %barrier3A_40 = arith.constant 0 : index
    tpu.barrier barrier_id(%barrier3A_40)
    %eq3A = arith.constant 0 : i32
    %eq3A_41 = arith.cmpi eq, %arg0, %eq3A : i32
    %lt3A = arith.constant 15 : i32
    %lt3A_42 = arith.cmpi slt, %arg1, %lt3A : i32
    %and3A = arith.andi %eq3A_41, %lt3A_42 : i1
    %convert_element_type3A = arith.extui %and3A : i1 to i32
    %cond3A = arith.constant 0 : i32
    %cond3A_43 = arith.cmpi ne, %convert_element_type3A, %cond3A : i32
    scf.if %cond3A_43 {
      %mul3A_68 = arith.constant 640 : i32
      %mul3A_69 = arith.muli %arg1, %mul3A_68 : i32
      %mul3A_70 = arith.constant 640 : i32
      %mul3A_71 = arith.muli %arg1, %mul3A_70 : i32
      "tpu.region"() ({
        %run_scoped3A = tpu.sem_alloc : memref<!tpu.dma_semaphore, #tpu.memory_space<semaphore_mem>>
        %dma_start3A_72 = arith.constant 0 : i32
        %dma_start3A_73 = tpu.memref_slice %arg5[%mul3A_71, %dma_start3A_72] : memref<10000x16xf32, #tpu.memory_space<hbm>> -> memref<640x16xf32, #tpu.memory_space<hbm>>
        %dma_start3A_74 = arith.constant 0 : i32
        %dma_start3A_75 = tpu.memref_slice %arg12[%mul3A_69, %dma_start3A_74] : memref<10240x16xf32, #tpu.memory_space<vmem_shared>> -> memref<640x16xf32, #tpu.memory_space<vmem_shared>>
        tpu.enqueue_dma source(%dma_start3A_75 : memref<640x16xf32, #tpu.memory_space<vmem_shared>>) target(%dma_start3A_73 : memref<640x16xf32, #tpu.memory_space<hbm>>) target_semaphore(%run_scoped3A : memref<!tpu.dma_semaphore, #tpu.memory_space<semaphore_mem>>)
        %dma_wait3A = arith.constant 0 : i32
        %dma_wait3A_76 = tpu.memref_slice %arg5[%mul3A_71, %dma_wait3A] : memref<10000x16xf32, #tpu.memory_space<hbm>> -> memref<640x16xf32, #tpu.memory_space<hbm>>
        %dma_wait3A_77 = arith.constant 0 : i32
        %dma_wait3A_78 = tpu.memref_slice %arg12[%mul3A_69, %dma_wait3A_77] : memref<10240x16xf32, #tpu.memory_space<vmem_shared>> -> memref<640x16xf32, #tpu.memory_space<vmem_shared>>
        tpu.wait_dma2 semaphore(%run_scoped3A : memref<!tpu.dma_semaphore, #tpu.memory_space<semaphore_mem>>) src(%dma_wait3A_78 : memref<640x16xf32, #tpu.memory_space<vmem_shared>>) dst(%dma_wait3A_76 : memref<640x16xf32, #tpu.memory_space<hbm>>)
        tpu.yield
      }) : () -> ()
    } else {
    }
    %eq3A_44 = arith.constant 0 : i32
    %eq3A_45 = arith.cmpi eq, %arg0, %eq3A_44 : i32
    %eq3A_46 = arith.constant 15 : i32
    %eq3A_47 = arith.cmpi eq, %arg1, %eq3A_46 : i32
    %and3A_48 = arith.andi %eq3A_45, %eq3A_47 : i1
    %convert_element_type3A_49 = arith.extui %and3A_48 : i1 to i32
    %cond3A_50 = arith.constant 0 : i32
    %cond3A_51 = arith.cmpi ne, %convert_element_type3A_49, %cond3A_50 : i32
    scf.if %cond3A_51 {
      "tpu.region"() ({
        %run_scoped3A = tpu.sem_alloc : memref<!tpu.dma_semaphore, #tpu.memory_space<semaphore_mem>>
        %dma_start3A_68 = arith.constant 9600 : i32
        %dma_start3A_69 = arith.constant 0 : i32
        %dma_start3A_70 = tpu.memref_slice %arg5[%dma_start3A_68, %dma_start3A_69] : memref<10000x16xf32, #tpu.memory_space<hbm>> -> memref<400x16xf32, #tpu.memory_space<hbm>>
        %dma_start3A_71 = arith.constant 9600 : i32
        %dma_start3A_72 = arith.constant 0 : i32
        %dma_start3A_73 = tpu.memref_slice %arg12[%dma_start3A_71, %dma_start3A_72] : memref<10240x16xf32, #tpu.memory_space<vmem_shared>> -> memref<400x16xf32, #tpu.memory_space<vmem_shared>>
        tpu.enqueue_dma source(%dma_start3A_73 : memref<400x16xf32, #tpu.memory_space<vmem_shared>>) target(%dma_start3A_70 : memref<400x16xf32, #tpu.memory_space<hbm>>) target_semaphore(%run_scoped3A : memref<!tpu.dma_semaphore, #tpu.memory_space<semaphore_mem>>)
        %dma_wait3A = arith.constant 9600 : i32
        %dma_wait3A_74 = arith.constant 0 : i32
        %dma_wait3A_75 = tpu.memref_slice %arg5[%dma_wait3A, %dma_wait3A_74] : memref<10000x16xf32, #tpu.memory_space<hbm>> -> memref<400x16xf32, #tpu.memory_space<hbm>>
        %dma_wait3A_76 = arith.constant 9600 : i32
        %dma_wait3A_77 = arith.constant 0 : i32
        %dma_wait3A_78 = tpu.memref_slice %arg12[%dma_wait3A_76, %dma_wait3A_77] : memref<10240x16xf32, #tpu.memory_space<vmem_shared>> -> memref<400x16xf32, #tpu.memory_space<vmem_shared>>
        tpu.wait_dma2 semaphore(%run_scoped3A : memref<!tpu.dma_semaphore, #tpu.memory_space<semaphore_mem>>) src(%dma_wait3A_78 : memref<400x16xf32, #tpu.memory_space<vmem_shared>>) dst(%dma_wait3A_75 : memref<400x16xf32, #tpu.memory_space<hbm>>)
        tpu.yield
      }) : () -> ()
    } else {
    }
    %eq3A_52 = arith.constant 1 : i32
    %eq3A_53 = arith.cmpi eq, %arg0, %eq3A_52 : i32
    %lt3A_54 = arith.constant 15 : i32
    %lt3A_55 = arith.cmpi slt, %arg1, %lt3A_54 : i32
    %and3A_56 = arith.andi %eq3A_53, %lt3A_55 : i1
    %convert_element_type3A_57 = arith.extui %and3A_56 : i1 to i32
    %cond3A_58 = arith.constant 0 : i32
    %cond3A_59 = arith.cmpi ne, %convert_element_type3A_57, %cond3A_58 : i32
    scf.if %cond3A_59 {
      %mul3A_68 = arith.constant 640 : i32
      %mul3A_69 = arith.muli %arg1, %mul3A_68 : i32
      %mul3A_70 = arith.constant 640 : i32
      %mul3A_71 = arith.muli %arg1, %mul3A_70 : i32
      "tpu.region"() ({
        %run_scoped3A = tpu.sem_alloc : memref<!tpu.dma_semaphore, #tpu.memory_space<semaphore_mem>>
        %dma_start3A_72 = arith.constant 0 : i32
        %dma_start3A_73 = tpu.memref_slice %arg6[%mul3A_71, %dma_start3A_72] : memref<10000x16xf32, #tpu.memory_space<hbm>> -> memref<640x16xf32, #tpu.memory_space<hbm>>
        %dma_start3A_74 = arith.constant 0 : i32
        %dma_start3A_75 = tpu.memref_slice %arg12[%mul3A_69, %dma_start3A_74] : memref<10240x16xf32, #tpu.memory_space<vmem_shared>> -> memref<640x16xf32, #tpu.memory_space<vmem_shared>>
        tpu.enqueue_dma source(%dma_start3A_75 : memref<640x16xf32, #tpu.memory_space<vmem_shared>>) target(%dma_start3A_73 : memref<640x16xf32, #tpu.memory_space<hbm>>) target_semaphore(%run_scoped3A : memref<!tpu.dma_semaphore, #tpu.memory_space<semaphore_mem>>)
        %dma_wait3A = arith.constant 0 : i32
        %dma_wait3A_76 = tpu.memref_slice %arg6[%mul3A_71, %dma_wait3A] : memref<10000x16xf32, #tpu.memory_space<hbm>> -> memref<640x16xf32, #tpu.memory_space<hbm>>
        %dma_wait3A_77 = arith.constant 0 : i32
        %dma_wait3A_78 = tpu.memref_slice %arg12[%mul3A_69, %dma_wait3A_77] : memref<10240x16xf32, #tpu.memory_space<vmem_shared>> -> memref<640x16xf32, #tpu.memory_space<vmem_shared>>
        tpu.wait_dma2 semaphore(%run_scoped3A : memref<!tpu.dma_semaphore, #tpu.memory_space<semaphore_mem>>) src(%dma_wait3A_78 : memref<640x16xf32, #tpu.memory_space<vmem_shared>>) dst(%dma_wait3A_76 : memref<640x16xf32, #tpu.memory_space<hbm>>)
        tpu.yield
      }) : () -> ()
    } else {
    }
    %eq3A_60 = arith.constant 1 : i32
    %eq3A_61 = arith.cmpi eq, %arg0, %eq3A_60 : i32
    %eq3A_62 = arith.constant 15 : i32
    %eq3A_63 = arith.cmpi eq, %arg1, %eq3A_62 : i32
    %and3A_64 = arith.andi %eq3A_61, %eq3A_63 : i1
    %convert_element_type3A_65 = arith.extui %and3A_64 : i1 to i32
    %cond3A_66 = arith.constant 0 : i32
    %cond3A_67 = arith.cmpi ne, %convert_element_type3A_65, %cond3A_66 : i32
    scf.if %cond3A_67 {
      "tpu.region"() ({
        %run_scoped3A = tpu.sem_alloc : memref<!tpu.dma_semaphore, #tpu.memory_space<semaphore_mem>>
        %dma_start3A_68 = arith.constant 9600 : i32
        %dma_start3A_69 = arith.constant 0 : i32
        %dma_start3A_70 = tpu.memref_slice %arg6[%dma_start3A_68, %dma_start3A_69] : memref<10000x16xf32, #tpu.memory_space<hbm>> -> memref<400x16xf32, #tpu.memory_space<hbm>>
        %dma_start3A_71 = arith.constant 9600 : i32
        %dma_start3A_72 = arith.constant 0 : i32
        %dma_start3A_73 = tpu.memref_slice %arg12[%dma_start3A_71, %dma_start3A_72] : memref<10240x16xf32, #tpu.memory_space<vmem_shared>> -> memref<400x16xf32, #tpu.memory_space<vmem_shared>>
        tpu.enqueue_dma source(%dma_start3A_73 : memref<400x16xf32, #tpu.memory_space<vmem_shared>>) target(%dma_start3A_70 : memref<400x16xf32, #tpu.memory_space<hbm>>) target_semaphore(%run_scoped3A : memref<!tpu.dma_semaphore, #tpu.memory_space<semaphore_mem>>)
        %dma_wait3A = arith.constant 9600 : i32
        %dma_wait3A_74 = arith.constant 0 : i32
        %dma_wait3A_75 = tpu.memref_slice %arg6[%dma_wait3A, %dma_wait3A_74] : memref<10000x16xf32, #tpu.memory_space<hbm>> -> memref<400x16xf32, #tpu.memory_space<hbm>>
        %dma_wait3A_76 = arith.constant 9600 : i32
        %dma_wait3A_77 = arith.constant 0 : i32
        %dma_wait3A_78 = tpu.memref_slice %arg12[%dma_wait3A_76, %dma_wait3A_77] : memref<10240x16xf32, #tpu.memory_space<vmem_shared>> -> memref<400x16xf32, #tpu.memory_space<vmem_shared>>
        tpu.wait_dma2 semaphore(%run_scoped3A : memref<!tpu.dma_semaphore, #tpu.memory_space<semaphore_mem>>) src(%dma_wait3A_78 : memref<400x16xf32, #tpu.memory_space<vmem_shared>>) dst(%dma_wait3A_75 : memref<400x16xf32, #tpu.memory_space<hbm>>)
        tpu.yield
      }) : () -> ()
    } else {
    }
    return
  }
}

#map = affine_map<(d0, d1) -> (0, 0, 0)>
#map1 = affine_map<(d0, d1) -> (0, 0)>
module attributes {stable_mosaic.version = 14 : i64} {
  func.func @_sc_deg(%arg0: i32, %arg1: i32, %arg2: memref<32x40x125xi32, #tpu.memory_space<hbm>>, %arg3: memref<10000x16xf32, #tpu.memory_space<hbm>>, %arg4: memref<10000x16xf32, #tpu.memory_space<hbm>>, %arg5: memref<40x125xi32, #tpu.memory_space<vmem>>, %arg6: memref<125x16xf32, #tpu.memory_space<vmem>>, %arg7: memref<128x16xf32, #tpu.memory_space<vmem>>, %arg8: memref<10240x16xf32, #tpu.memory_space<vmem_shared>>, %arg9: memref<!tpu.dma_semaphore, #tpu.memory_space<semaphore_mem>>, %arg10: memref<!tpu.dma_semaphore, #tpu.memory_space<semaphore_mem>>) attributes {dimension_semantics = [#tpu.dimension_semantics<core_parallel>, #tpu.dimension_semantics<subcore_parallel>], iteration_bounds = array<i64: 2, 16>, scalar_prefetch = 0 : i64, scratch_operands = 6 : i64, tpu.core_type = #tpu.core_type<sc_vector_subcore>, window_params = [{transform_indices = #map}, {transform_indices = #map1}, {transform_indices = #map1}]} {
    %mul3A = arith.constant 16 : i32
    %mul3A_0 = arith.muli %arg0, %mul3A : i32
    %add3A = arith.addi %mul3A_0, %arg1 : i32
    "tpu.region"() ({
      %run_scoped3A = tpu.sem_alloc : memref<!tpu.dma_semaphore, #tpu.memory_space<semaphore_mem>>
      %dma_start3A_75 = arith.constant 0 : i32
      %dma_start3A_76 = arith.constant 0 : i32
      %dma_start3A_77 = tpu.memref_slice %arg2[%add3A, %dma_start3A_75, %dma_start3A_76] : memref<32x40x125xi32, #tpu.memory_space<hbm>> -> memref<1x40x125xi32, #tpu.memory_space<hbm>>
      %dma_start3A_78 = tpu.memref_squeeze %dma_start3A_77 : memref<1x40x125xi32, #tpu.memory_space<hbm>> -> memref<40x125xi32, #tpu.memory_space<hbm>>
      %dma_start3A_79 = arith.constant 0 : i32
      %dma_start3A_80 = arith.constant 0 : i32
      %dma_start3A_81 = tpu.memref_slice %arg2[%add3A, %dma_start3A_79, %dma_start3A_80] : memref<32x40x125xi32, #tpu.memory_space<hbm>> -> memref<1x40x125xi32, #tpu.memory_space<hbm>>
      %dma_start3A_82 = tpu.memref_squeeze %dma_start3A_81 : memref<1x40x125xi32, #tpu.memory_space<hbm>> -> memref<40x125xi32, #tpu.memory_space<hbm>>
      tpu.enqueue_dma source(%dma_start3A_82 : memref<40x125xi32, #tpu.memory_space<hbm>>) target(%arg5 : memref<40x125xi32, #tpu.memory_space<vmem>>) target_semaphore(%run_scoped3A : memref<!tpu.dma_semaphore, #tpu.memory_space<semaphore_mem>>)
      %dma_wait3A = arith.constant 0 : i32
      %dma_wait3A_83 = arith.constant 0 : i32
      %dma_wait3A_84 = tpu.memref_slice %arg2[%add3A, %dma_wait3A, %dma_wait3A_83] : memref<32x40x125xi32, #tpu.memory_space<hbm>> -> memref<1x40x125xi32, #tpu.memory_space<hbm>>
      %dma_wait3A_85 = tpu.memref_squeeze %dma_wait3A_84 : memref<1x40x125xi32, #tpu.memory_space<hbm>> -> memref<40x125xi32, #tpu.memory_space<hbm>>
      %dma_wait3A_86 = arith.constant 0 : i32
      %dma_wait3A_87 = arith.constant 0 : i32
      %dma_wait3A_88 = tpu.memref_slice %arg2[%add3A, %dma_wait3A_86, %dma_wait3A_87] : memref<32x40x125xi32, #tpu.memory_space<hbm>> -> memref<1x40x125xi32, #tpu.memory_space<hbm>>
      %dma_wait3A_89 = tpu.memref_squeeze %dma_wait3A_88 : memref<1x40x125xi32, #tpu.memory_space<hbm>> -> memref<40x125xi32, #tpu.memory_space<hbm>>
      tpu.wait_dma2 semaphore(%run_scoped3A : memref<!tpu.dma_semaphore, #tpu.memory_space<semaphore_mem>>) src(%dma_wait3A_89 : memref<40x125xi32, #tpu.memory_space<hbm>>) dst(%arg5 : memref<40x125xi32, #tpu.memory_space<vmem>>)
      tpu.yield
    }) : () -> ()
    %scan3A = arith.constant 0 : i32
    %scan3A_1 = arith.constant 0 : i32
    %scan3A_2 = arith.constant 128 : i32
    %scan3A_3 = arith.addi %scan3A_1, %scan3A_2 : i32
    %scan3A_4 = arith.constant 1 : i32
    %scan3A_5 = scf.for %scan3A_75 = %scan3A_1 to %scan3A_3 step %scan3A_4 iter_args(%scan3A_76 = %scan3A) -> (i32)  : i32 {
      %broadcast_in_dim3A = arith.constant 0.000000e+00 : f32
      %broadcast_in_dim3A_77 = vector.broadcast %broadcast_in_dim3A : f32 to vector<16xf32>
      %swap3A = arith.index_cast %scan3A_75 : i32 to index
      %swap3A_78 = arith.constant 0 : index
      %swap3A_79 = tpu.vector_load %arg7[%swap3A, %swap3A_78] {strides = array<i32>} : memref<128x16xf32, #tpu.memory_space<vmem>>, vector<1x16xf32>,
      %swap3A_80 = vector.shape_cast %swap3A_79 : vector<1x16xf32> to vector<16xf32>
      %swap3A_81 = vector.shape_cast %broadcast_in_dim3A_77 : vector<16xf32> to vector<1x16xf32>
      tpu.vector_store %arg7[%swap3A, %swap3A_78], %swap3A_81 {strides = array<i32>} : memref<128x16xf32, #tpu.memory_space<vmem>>, vector<1x16xf32>,
      %scan3A_82 = arith.constant 0 : i32
      scf.yield %scan3A_82 : i32
    }
    %scan3A_6 = arith.constant 128 : i32
    %mul3A_7 = arith.constant 640 : i32
    %mul3A_8 = arith.muli %arg1, %mul3A_7 : i32
    %add3A_9 = arith.constant 0 : i32
    %add3A_10 = arith.addi %mul3A_8, %add3A_9 : i32
    "tpu.region"() ({
      %run_scoped3A = tpu.sem_alloc : memref<!tpu.dma_semaphore, #tpu.memory_space<semaphore_mem>>
      %dma_start3A_75 = arith.constant 0 : i32
      %dma_start3A_76 = tpu.memref_slice %arg8[%add3A_10, %dma_start3A_75] : memref<10240x16xf32, #tpu.memory_space<vmem_shared>> -> memref<128x16xf32, #tpu.memory_space<vmem_shared>>
      %dma_start3A_77 = arith.constant 0 : i32
      %dma_start3A_78 = tpu.memref_slice %arg8[%add3A_10, %dma_start3A_77] : memref<10240x16xf32, #tpu.memory_space<vmem_shared>> -> memref<128x16xf32, #tpu.memory_space<vmem_shared>>
      tpu.enqueue_dma source(%arg7 : memref<128x16xf32, #tpu.memory_space<vmem>>) target(%dma_start3A_78 : memref<128x16xf32, #tpu.memory_space<vmem_shared>>) target_semaphore(%run_scoped3A : memref<!tpu.dma_semaphore, #tpu.memory_space<semaphore_mem>>)
      %dma_wait3A = arith.constant 0 : i32
      %dma_wait3A_79 = tpu.memref_slice %arg8[%add3A_10, %dma_wait3A] : memref<10240x16xf32, #tpu.memory_space<vmem_shared>> -> memref<128x16xf32, #tpu.memory_space<vmem_shared>>
      %dma_wait3A_80 = arith.constant 0 : i32
      %dma_wait3A_81 = tpu.memref_slice %arg8[%add3A_10, %dma_wait3A_80] : memref<10240x16xf32, #tpu.memory_space<vmem_shared>> -> memref<128x16xf32, #tpu.memory_space<vmem_shared>>
      tpu.wait_dma2 semaphore(%run_scoped3A : memref<!tpu.dma_semaphore, #tpu.memory_space<semaphore_mem>>) src(%arg7 : memref<128x16xf32, #tpu.memory_space<vmem>>) dst(%dma_wait3A_81 : memref<128x16xf32, #tpu.memory_space<vmem_shared>>)
      tpu.yield
    }) : () -> ()
    %mul3A_11 = arith.constant 640 : i32
    %mul3A_12 = arith.muli %arg1, %mul3A_11 : i32
    %add3A_13 = arith.constant 128 : i32
    %add3A_14 = arith.addi %mul3A_12, %add3A_13 : i32
    "tpu.region"() ({
      %run_scoped3A = tpu.sem_alloc : memref<!tpu.dma_semaphore, #tpu.memory_space<semaphore_mem>>
      %dma_start3A_75 = arith.constant 0 : i32
      %dma_start3A_76 = tpu.memref_slice %arg8[%add3A_14, %dma_start3A_75] : memref<10240x16xf32, #tpu.memory_space<vmem_shared>> -> memref<128x16xf32, #tpu.memory_space<vmem_shared>>
      %dma_start3A_77 = arith.constant 0 : i32
      %dma_start3A_78 = tpu.memref_slice %arg8[%add3A_14, %dma_start3A_77] : memref<10240x16xf32, #tpu.memory_space<vmem_shared>> -> memref<128x16xf32, #tpu.memory_space<vmem_shared>>
      tpu.enqueue_dma source(%arg7 : memref<128x16xf32, #tpu.memory_space<vmem>>) target(%dma_start3A_78 : memref<128x16xf32, #tpu.memory_space<vmem_shared>>) target_semaphore(%run_scoped3A : memref<!tpu.dma_semaphore, #tpu.memory_space<semaphore_mem>>)
      %dma_wait3A = arith.constant 0 : i32
      %dma_wait3A_79 = tpu.memref_slice %arg8[%add3A_14, %dma_wait3A] : memref<10240x16xf32, #tpu.memory_space<vmem_shared>> -> memref<128x16xf32, #tpu.memory_space<vmem_shared>>
      %dma_wait3A_80 = arith.constant 0 : i32
      %dma_wait3A_81 = tpu.memref_slice %arg8[%add3A_14, %dma_wait3A_80] : memref<10240x16xf32, #tpu.memory_space<vmem_shared>> -> memref<128x16xf32, #tpu.memory_space<vmem_shared>>
      tpu.wait_dma2 semaphore(%run_scoped3A : memref<!tpu.dma_semaphore, #tpu.memory_space<semaphore_mem>>) src(%arg7 : memref<128x16xf32, #tpu.memory_space<vmem>>) dst(%dma_wait3A_81 : memref<128x16xf32, #tpu.memory_space<vmem_shared>>)
      tpu.yield
    }) : () -> ()
    %mul3A_15 = arith.constant 640 : i32
    %mul3A_16 = arith.muli %arg1, %mul3A_15 : i32
    %add3A_17 = arith.constant 256 : i32
    %add3A_18 = arith.addi %mul3A_16, %add3A_17 : i32
    "tpu.region"() ({
      %run_scoped3A = tpu.sem_alloc : memref<!tpu.dma_semaphore, #tpu.memory_space<semaphore_mem>>
      %dma_start3A_75 = arith.constant 0 : i32
      %dma_start3A_76 = tpu.memref_slice %arg8[%add3A_18, %dma_start3A_75] : memref<10240x16xf32, #tpu.memory_space<vmem_shared>> -> memref<128x16xf32, #tpu.memory_space<vmem_shared>>
      %dma_start3A_77 = arith.constant 0 : i32
      %dma_start3A_78 = tpu.memref_slice %arg8[%add3A_18, %dma_start3A_77] : memref<10240x16xf32, #tpu.memory_space<vmem_shared>> -> memref<128x16xf32, #tpu.memory_space<vmem_shared>>
      tpu.enqueue_dma source(%arg7 : memref<128x16xf32, #tpu.memory_space<vmem>>) target(%dma_start3A_78 : memref<128x16xf32, #tpu.memory_space<vmem_shared>>) target_semaphore(%run_scoped3A : memref<!tpu.dma_semaphore, #tpu.memory_space<semaphore_mem>>)
      %dma_wait3A = arith.constant 0 : i32
      %dma_wait3A_79 = tpu.memref_slice %arg8[%add3A_18, %dma_wait3A] : memref<10240x16xf32, #tpu.memory_space<vmem_shared>> -> memref<128x16xf32, #tpu.memory_space<vmem_shared>>
      %dma_wait3A_80 = arith.constant 0 : i32
      %dma_wait3A_81 = tpu.memref_slice %arg8[%add3A_18, %dma_wait3A_80] : memref<10240x16xf32, #tpu.memory_space<vmem_shared>> -> memref<128x16xf32, #tpu.memory_space<vmem_shared>>
      tpu.wait_dma2 semaphore(%run_scoped3A : memref<!tpu.dma_semaphore, #tpu.memory_space<semaphore_mem>>) src(%arg7 : memref<128x16xf32, #tpu.memory_space<vmem>>) dst(%dma_wait3A_81 : memref<128x16xf32, #tpu.memory_space<vmem_shared>>)
      tpu.yield
    }) : () -> ()
    %mul3A_19 = arith.constant 640 : i32
    %mul3A_20 = arith.muli %arg1, %mul3A_19 : i32
    %add3A_21 = arith.constant 384 : i32
    %add3A_22 = arith.addi %mul3A_20, %add3A_21 : i32
    "tpu.region"() ({
      %run_scoped3A = tpu.sem_alloc : memref<!tpu.dma_semaphore, #tpu.memory_space<semaphore_mem>>
      %dma_start3A_75 = arith.constant 0 : i32
      %dma_start3A_76 = tpu.memref_slice %arg8[%add3A_22, %dma_start3A_75] : memref<10240x16xf32, #tpu.memory_space<vmem_shared>> -> memref<128x16xf32, #tpu.memory_space<vmem_shared>>
      %dma_start3A_77 = arith.constant 0 : i32
      %dma_start3A_78 = tpu.memref_slice %arg8[%add3A_22, %dma_start3A_77] : memref<10240x16xf32, #tpu.memory_space<vmem_shared>> -> memref<128x16xf32, #tpu.memory_space<vmem_shared>>
      tpu.enqueue_dma source(%arg7 : memref<128x16xf32, #tpu.memory_space<vmem>>) target(%dma_start3A_78 : memref<128x16xf32, #tpu.memory_space<vmem_shared>>) target_semaphore(%run_scoped3A : memref<!tpu.dma_semaphore, #tpu.memory_space<semaphore_mem>>)
      %dma_wait3A = arith.constant 0 : i32
      %dma_wait3A_79 = tpu.memref_slice %arg8[%add3A_22, %dma_wait3A] : memref<10240x16xf32, #tpu.memory_space<vmem_shared>> -> memref<128x16xf32, #tpu.memory_space<vmem_shared>>
      %dma_wait3A_80 = arith.constant 0 : i32
      %dma_wait3A_81 = tpu.memref_slice %arg8[%add3A_22, %dma_wait3A_80] : memref<10240x16xf32, #tpu.memory_space<vmem_shared>> -> memref<128x16xf32, #tpu.memory_space<vmem_shared>>
      tpu.wait_dma2 semaphore(%run_scoped3A : memref<!tpu.dma_semaphore, #tpu.memory_space<semaphore_mem>>) src(%arg7 : memref<128x16xf32, #tpu.memory_space<vmem>>) dst(%dma_wait3A_81 : memref<128x16xf32, #tpu.memory_space<vmem_shared>>)
      tpu.yield
    }) : () -> ()
    %mul3A_23 = arith.constant 640 : i32
    %mul3A_24 = arith.muli %arg1, %mul3A_23 : i32
    %add3A_25 = arith.constant 512 : i32
    %add3A_26 = arith.addi %mul3A_24, %add3A_25 : i32
    "tpu.region"() ({
      %run_scoped3A = tpu.sem_alloc : memref<!tpu.dma_semaphore, #tpu.memory_space<semaphore_mem>>
      %dma_start3A_75 = arith.constant 0 : i32
      %dma_start3A_76 = tpu.memref_slice %arg8[%add3A_26, %dma_start3A_75] : memref<10240x16xf32, #tpu.memory_space<vmem_shared>> -> memref<128x16xf32, #tpu.memory_space<vmem_shared>>
      %dma_start3A_77 = arith.constant 0 : i32
      %dma_start3A_78 = tpu.memref_slice %arg8[%add3A_26, %dma_start3A_77] : memref<10240x16xf32, #tpu.memory_space<vmem_shared>> -> memref<128x16xf32, #tpu.memory_space<vmem_shared>>
      tpu.enqueue_dma source(%arg7 : memref<128x16xf32, #tpu.memory_space<vmem>>) target(%dma_start3A_78 : memref<128x16xf32, #tpu.memory_space<vmem_shared>>) target_semaphore(%run_scoped3A : memref<!tpu.dma_semaphore, #tpu.memory_space<semaphore_mem>>)
      %dma_wait3A = arith.constant 0 : i32
      %dma_wait3A_79 = tpu.memref_slice %arg8[%add3A_26, %dma_wait3A] : memref<10240x16xf32, #tpu.memory_space<vmem_shared>> -> memref<128x16xf32, #tpu.memory_space<vmem_shared>>
      %dma_wait3A_80 = arith.constant 0 : i32
      %dma_wait3A_81 = tpu.memref_slice %arg8[%add3A_26, %dma_wait3A_80] : memref<10240x16xf32, #tpu.memory_space<vmem_shared>> -> memref<128x16xf32, #tpu.memory_space<vmem_shared>>
      tpu.wait_dma2 semaphore(%run_scoped3A : memref<!tpu.dma_semaphore, #tpu.memory_space<semaphore_mem>>) src(%arg7 : memref<128x16xf32, #tpu.memory_space<vmem>>) dst(%dma_wait3A_81 : memref<128x16xf32, #tpu.memory_space<vmem_shared>>)
      tpu.yield
    }) : () -> ()
    %barrier3A = arith.constant 0 : index
    tpu.barrier barrier_id(%barrier3A)
    %scan3A_27 = arith.constant 0 : i32
    %scan3A_28 = arith.constant 0 : i32
    %scan3A_29 = arith.constant 125 : i32
    %scan3A_30 = arith.addi %scan3A_28, %scan3A_29 : i32
    %scan3A_31 = arith.constant 1 : i32
    %scan3A_32 = scf.for %scan3A_75 = %scan3A_28 to %scan3A_30 step %scan3A_31 iter_args(%scan3A_76 = %scan3A_27) -> (i32)  : i32 {
      %broadcast_in_dim3A = arith.constant 1.000000e+00 : f32
      %broadcast_in_dim3A_77 = vector.broadcast %broadcast_in_dim3A : f32 to vector<16xf32>
      %swap3A = arith.index_cast %scan3A_75 : i32 to index
      %swap3A_78 = arith.constant 0 : index
      %swap3A_79 = tpu.vector_load %arg6[%swap3A, %swap3A_78] {strides = array<i32>} : memref<125x16xf32, #tpu.memory_space<vmem>>, vector<1x16xf32>,
      %swap3A_80 = vector.shape_cast %swap3A_79 : vector<1x16xf32> to vector<16xf32>
      %swap3A_81 = vector.shape_cast %broadcast_in_dim3A_77 : vector<16xf32> to vector<1x16xf32>
      tpu.vector_store %arg6[%swap3A, %swap3A_78], %swap3A_81 {strides = array<i32>} : memref<125x16xf32, #tpu.memory_space<vmem>>, vector<1x16xf32>,
      %scan3A_82 = arith.constant 0 : i32
      scf.yield %scan3A_82 : i32
    }
    %scan3A_33 = arith.constant 125 : i32
    %dma_start3A = arith.constant 0 : i32
    %dma_start3A_34 = arith.constant 0 : i32
    %dma_start3A_35 = tpu.memref_slice %arg5[%dma_start3A, %dma_start3A_34] : memref<40x125xi32, #tpu.memory_space<vmem>> -> memref<1x125xi32, #tpu.memory_space<vmem>>
    %dma_start3A_36 = tpu.memref_squeeze %dma_start3A_35 : memref<1x125xi32, #tpu.memory_space<vmem>> -> memref<125xi32, #tpu.memory_space<vmem>>
    %dma_start3A_37 = arith.constant 0 : i32
    %dma_start3A_38 = arith.constant 0 : i32
    %dma_start3A_39 = tpu.memref_slice %arg8[%dma_start3A_37, %dma_start3A_38] : memref<10240x16xf32, #tpu.memory_space<vmem_shared>> -> memref<10240x16xf32, #tpu.memory_space<vmem_shared>>
    tpu.enqueue_indirect_dma source(%arg6 : memref<125x16xf32, #tpu.memory_space<vmem>>) target(%dma_start3A_39 : memref<10240x16xf32, #tpu.memory_space<vmem_shared>>) offsets(%dma_start3A_36 : memref<125xi32, #tpu.memory_space<vmem>>) semaphore(%arg9 : memref<!tpu.dma_semaphore, #tpu.memory_space<semaphore_mem>>) {add = true}
    %scan3A_40 = arith.constant 0 : i32
    %scan3A_41 = arith.constant 0 : i32
    %scan3A_42 = arith.constant 20 : i32
    %scan3A_43 = arith.addi %scan3A_41, %scan3A_42 : i32
    %scan3A_44 = arith.constant 1 : i32
    %scan3A_45 = scf.for %scan3A_75 = %scan3A_41 to %scan3A_43 step %scan3A_44 iter_args(%scan3A_76 = %scan3A_40) -> (i32)  : i32 {
      %mul3A_77 = arith.constant 2 : i32
      %mul3A_78 = arith.muli %mul3A_77, %scan3A_75 : i32
      %add3A_79 = arith.constant 1 : i32
      %add3A_80 = arith.addi %mul3A_78, %add3A_79 : i32
      %dma_start3A_81 = arith.constant 0 : i32
      %dma_start3A_82 = tpu.memref_slice %arg5[%add3A_80, %dma_start3A_81] : memref<40x125xi32, #tpu.memory_space<vmem>> -> memref<1x125xi32, #tpu.memory_space<vmem>>
      %dma_start3A_83 = tpu.memref_squeeze %dma_start3A_82 : memref<1x125xi32, #tpu.memory_space<vmem>> -> memref<125xi32, #tpu.memory_space<vmem>>
      %dma_start3A_84 = arith.constant 0 : i32
      %dma_start3A_85 = arith.constant 0 : i32
      %dma_start3A_86 = tpu.memref_slice %arg8[%dma_start3A_84, %dma_start3A_85] : memref<10240x16xf32, #tpu.memory_space<vmem_shared>> -> memref<10240x16xf32, #tpu.memory_space<vmem_shared>>
      tpu.enqueue_indirect_dma source(%arg6 : memref<125x16xf32, #tpu.memory_space<vmem>>) target(%dma_start3A_86 : memref<10240x16xf32, #tpu.memory_space<vmem_shared>>) offsets(%dma_start3A_83 : memref<125xi32, #tpu.memory_space<vmem>>) semaphore(%arg10 : memref<!tpu.dma_semaphore, #tpu.memory_space<semaphore_mem>>) {add = true}
      %dma_wait3A = arith.constant 0 : i32
      %dma_wait3A_87 = tpu.memref_slice %arg5[%mul3A_78, %dma_wait3A] : memref<40x125xi32, #tpu.memory_space<vmem>> -> memref<1x125xi32, #tpu.memory_space<vmem>>
      %dma_wait3A_88 = tpu.memref_squeeze %dma_wait3A_87 : memref<1x125xi32, #tpu.memory_space<vmem>> -> memref<125xi32, #tpu.memory_space<vmem>>
      %dma_wait3A_89 = arith.constant 0 : i32
      %dma_wait3A_90 = arith.constant 0 : i32
      %dma_wait3A_91 = tpu.memref_slice %arg8[%dma_wait3A_89, %dma_wait3A_90] : memref<10240x16xf32, #tpu.memory_space<vmem_shared>> -> memref<10240x16xf32, #tpu.memory_space<vmem_shared>>
      tpu.wait_indirect_dma semaphore(%arg9 : memref<!tpu.dma_semaphore, #tpu.memory_space<semaphore_mem>>) src(%arg6 : memref<125x16xf32, #tpu.memory_space<vmem>>) dst(%dma_wait3A_91 : memref<10240x16xf32, #tpu.memory_space<vmem_shared>>)
      %add3A_92 = arith.constant 2 : i32
      %add3A_93 = arith.addi %mul3A_78, %add3A_92 : i32
      %lt3A_94 = arith.constant 40 : i32
      %lt3A_95 = arith.cmpi slt, %add3A_93, %lt3A_94 : i32
      %convert_element_type3A_96 = arith.extui %lt3A_95 : i1 to i32
      %cond3A_97 = arith.constant 0 : i32
      %cond3A_98 = arith.cmpi ne, %convert_element_type3A_96, %cond3A_97 : i32
      scf.if %cond3A_98 {
        %add3A_108 = arith.constant 2 : i32
        %add3A_109 = arith.addi %mul3A_78, %add3A_108 : i32
        %dma_start3A_110 = arith.constant 0 : i32
        %dma_start3A_111 = tpu.memref_slice %arg5[%add3A_109, %dma_start3A_110] : memref<40x125xi32, #tpu.memory_space<vmem>> -> memref<1x125xi32, #tpu.memory_space<vmem>>
        %dma_start3A_112 = tpu.memref_squeeze %dma_start3A_111 : memref<1x125xi32, #tpu.memory_space<vmem>> -> memref<125xi32, #tpu.memory_space<vmem>>
        %dma_start3A_113 = arith.constant 0 : i32
        %dma_start3A_114 = arith.constant 0 : i32
        %dma_start3A_115 = tpu.memref_slice %arg8[%dma_start3A_113, %dma_start3A_114] : memref<10240x16xf32, #tpu.memory_space<vmem_shared>> -> memref<10240x16xf32, #tpu.memory_space<vmem_shared>>
        tpu.enqueue_indirect_dma source(%arg6 : memref<125x16xf32, #tpu.memory_space<vmem>>) target(%dma_start3A_115 : memref<10240x16xf32, #tpu.memory_space<vmem_shared>>) offsets(%dma_start3A_112 : memref<125xi32, #tpu.memory_space<vmem>>) semaphore(%arg9 : memref<!tpu.dma_semaphore, #tpu.memory_space<semaphore_mem>>) {add = true}
      } else {
      }
      %add3A_99 = arith.constant 1 : i32
      %add3A_100 = arith.addi %mul3A_78, %add3A_99 : i32
      %dma_wait3A_101 = arith.constant 0 : i32
      %dma_wait3A_102 = tpu.memref_slice %arg5[%add3A_100, %dma_wait3A_101] : memref<40x125xi32, #tpu.memory_space<vmem>> -> memref<1x125xi32, #tpu.memory_space<vmem>>
      %dma_wait3A_103 = tpu.memref_squeeze %dma_wait3A_102 : memref<1x125xi32, #tpu.memory_space<vmem>> -> memref<125xi32, #tpu.memory_space<vmem>>
      %dma_wait3A_104 = arith.constant 0 : i32
      %dma_wait3A_105 = arith.constant 0 : i32
      %dma_wait3A_106 = tpu.memref_slice %arg8[%dma_wait3A_104, %dma_wait3A_105] : memref<10240x16xf32, #tpu.memory_space<vmem_shared>> -> memref<10240x16xf32, #tpu.memory_space<vmem_shared>>
      tpu.wait_indirect_dma semaphore(%arg10 : memref<!tpu.dma_semaphore, #tpu.memory_space<semaphore_mem>>) src(%arg6 : memref<125x16xf32, #tpu.memory_space<vmem>>) dst(%dma_wait3A_106 : memref<10240x16xf32, #tpu.memory_space<vmem_shared>>)
      %scan3A_107 = arith.constant 0 : i32
      scf.yield %scan3A_107 : i32
    }
    %scan3A_46 = arith.constant 20 : i32
    %barrier3A_47 = arith.constant 0 : index
    tpu.barrier barrier_id(%barrier3A_47)
    %eq3A = arith.constant 0 : i32
    %eq3A_48 = arith.cmpi eq, %arg0, %eq3A : i32
    %lt3A = arith.constant 15 : i32
    %lt3A_49 = arith.cmpi slt, %arg1, %lt3A : i32
    %and3A = arith.andi %eq3A_48, %lt3A_49 : i1
    %convert_element_type3A = arith.extui %and3A : i1 to i32
    %cond3A = arith.constant 0 : i32
    %cond3A_50 = arith.cmpi ne, %convert_element_type3A, %cond3A : i32
    scf.if %cond3A_50 {
      %mul3A_75 = arith.constant 640 : i32
      %mul3A_76 = arith.muli %arg1, %mul3A_75 : i32
      %mul3A_77 = arith.constant 640 : i32
      %mul3A_78 = arith.muli %arg1, %mul3A_77 : i32
      "tpu.region"() ({
        %run_scoped3A = tpu.sem_alloc : memref<!tpu.dma_semaphore, #tpu.memory_space<semaphore_mem>>
        %dma_start3A_79 = arith.constant 0 : i32
        %dma_start3A_80 = tpu.memref_slice %arg3[%mul3A_78, %dma_start3A_79] : memref<10000x16xf32, #tpu.memory_space<hbm>> -> memref<640x16xf32, #tpu.memory_space<hbm>>
        %dma_start3A_81 = arith.constant 0 : i32
        %dma_start3A_82 = tpu.memref_slice %arg8[%mul3A_76, %dma_start3A_81] : memref<10240x16xf32, #tpu.memory_space<vmem_shared>> -> memref<640x16xf32, #tpu.memory_space<vmem_shared>>
        tpu.enqueue_dma source(%dma_start3A_82 : memref<640x16xf32, #tpu.memory_space<vmem_shared>>) target(%dma_start3A_80 : memref<640x16xf32, #tpu.memory_space<hbm>>) target_semaphore(%run_scoped3A : memref<!tpu.dma_semaphore, #tpu.memory_space<semaphore_mem>>)
        %dma_wait3A = arith.constant 0 : i32
        %dma_wait3A_83 = tpu.memref_slice %arg3[%mul3A_78, %dma_wait3A] : memref<10000x16xf32, #tpu.memory_space<hbm>> -> memref<640x16xf32, #tpu.memory_space<hbm>>
        %dma_wait3A_84 = arith.constant 0 : i32
        %dma_wait3A_85 = tpu.memref_slice %arg8[%mul3A_76, %dma_wait3A_84] : memref<10240x16xf32, #tpu.memory_space<vmem_shared>> -> memref<640x16xf32, #tpu.memory_space<vmem_shared>>
        tpu.wait_dma2 semaphore(%run_scoped3A : memref<!tpu.dma_semaphore, #tpu.memory_space<semaphore_mem>>) src(%dma_wait3A_85 : memref<640x16xf32, #tpu.memory_space<vmem_shared>>) dst(%dma_wait3A_83 : memref<640x16xf32, #tpu.memory_space<hbm>>)
        tpu.yield
      }) : () -> ()
    } else {
    }
    %eq3A_51 = arith.constant 0 : i32
    %eq3A_52 = arith.cmpi eq, %arg0, %eq3A_51 : i32
    %eq3A_53 = arith.constant 15 : i32
    %eq3A_54 = arith.cmpi eq, %arg1, %eq3A_53 : i32
    %and3A_55 = arith.andi %eq3A_52, %eq3A_54 : i1
    %convert_element_type3A_56 = arith.extui %and3A_55 : i1 to i32
    %cond3A_57 = arith.constant 0 : i32
    %cond3A_58 = arith.cmpi ne, %convert_element_type3A_56, %cond3A_57 : i32
    scf.if %cond3A_58 {
      "tpu.region"() ({
        %run_scoped3A = tpu.sem_alloc : memref<!tpu.dma_semaphore, #tpu.memory_space<semaphore_mem>>
        %dma_start3A_75 = arith.constant 9600 : i32
        %dma_start3A_76 = arith.constant 0 : i32
        %dma_start3A_77 = tpu.memref_slice %arg3[%dma_start3A_75, %dma_start3A_76] : memref<10000x16xf32, #tpu.memory_space<hbm>> -> memref<400x16xf32, #tpu.memory_space<hbm>>
        %dma_start3A_78 = arith.constant 9600 : i32
        %dma_start3A_79 = arith.constant 0 : i32
        %dma_start3A_80 = tpu.memref_slice %arg8[%dma_start3A_78, %dma_start3A_79] : memref<10240x16xf32, #tpu.memory_space<vmem_shared>> -> memref<400x16xf32, #tpu.memory_space<vmem_shared>>
        tpu.enqueue_dma source(%dma_start3A_80 : memref<400x16xf32, #tpu.memory_space<vmem_shared>>) target(%dma_start3A_77 : memref<400x16xf32, #tpu.memory_space<hbm>>) target_semaphore(%run_scoped3A : memref<!tpu.dma_semaphore, #tpu.memory_space<semaphore_mem>>)
        %dma_wait3A = arith.constant 9600 : i32
        %dma_wait3A_81 = arith.constant 0 : i32
        %dma_wait3A_82 = tpu.memref_slice %arg3[%dma_wait3A, %dma_wait3A_81] : memref<10000x16xf32, #tpu.memory_space<hbm>> -> memref<400x16xf32, #tpu.memory_space<hbm>>
        %dma_wait3A_83 = arith.constant 9600 : i32
        %dma_wait3A_84 = arith.constant 0 : i32
        %dma_wait3A_85 = tpu.memref_slice %arg8[%dma_wait3A_83, %dma_wait3A_84] : memref<10240x16xf32, #tpu.memory_space<vmem_shared>> -> memref<400x16xf32, #tpu.memory_space<vmem_shared>>
        tpu.wait_dma2 semaphore(%run_scoped3A : memref<!tpu.dma_semaphore, #tpu.memory_space<semaphore_mem>>) src(%dma_wait3A_85 : memref<400x16xf32, #tpu.memory_space<vmem_shared>>) dst(%dma_wait3A_82 : memref<400x16xf32, #tpu.memory_space<hbm>>)
        tpu.yield
      }) : () -> ()
    } else {
    }
    %eq3A_59 = arith.constant 1 : i32
    %eq3A_60 = arith.cmpi eq, %arg0, %eq3A_59 : i32
    %lt3A_61 = arith.constant 15 : i32
    %lt3A_62 = arith.cmpi slt, %arg1, %lt3A_61 : i32
    %and3A_63 = arith.andi %eq3A_60, %lt3A_62 : i1
    %convert_element_type3A_64 = arith.extui %and3A_63 : i1 to i32
    %cond3A_65 = arith.constant 0 : i32
    %cond3A_66 = arith.cmpi ne, %convert_element_type3A_64, %cond3A_65 : i32
    scf.if %cond3A_66 {
      %mul3A_75 = arith.constant 640 : i32
      %mul3A_76 = arith.muli %arg1, %mul3A_75 : i32
      %mul3A_77 = arith.constant 640 : i32
      %mul3A_78 = arith.muli %arg1, %mul3A_77 : i32
      "tpu.region"() ({
        %run_scoped3A = tpu.sem_alloc : memref<!tpu.dma_semaphore, #tpu.memory_space<semaphore_mem>>
        %dma_start3A_79 = arith.constant 0 : i32
        %dma_start3A_80 = tpu.memref_slice %arg4[%mul3A_78, %dma_start3A_79] : memref<10000x16xf32, #tpu.memory_space<hbm>> -> memref<640x16xf32, #tpu.memory_space<hbm>>
        %dma_start3A_81 = arith.constant 0 : i32
        %dma_start3A_82 = tpu.memref_slice %arg8[%mul3A_76, %dma_start3A_81] : memref<10240x16xf32, #tpu.memory_space<vmem_shared>> -> memref<640x16xf32, #tpu.memory_space<vmem_shared>>
        tpu.enqueue_dma source(%dma_start3A_82 : memref<640x16xf32, #tpu.memory_space<vmem_shared>>) target(%dma_start3A_80 : memref<640x16xf32, #tpu.memory_space<hbm>>) target_semaphore(%run_scoped3A : memref<!tpu.dma_semaphore, #tpu.memory_space<semaphore_mem>>)
        %dma_wait3A = arith.constant 0 : i32
        %dma_wait3A_83 = tpu.memref_slice %arg4[%mul3A_78, %dma_wait3A] : memref<10000x16xf32, #tpu.memory_space<hbm>> -> memref<640x16xf32, #tpu.memory_space<hbm>>
        %dma_wait3A_84 = arith.constant 0 : i32
        %dma_wait3A_85 = tpu.memref_slice %arg8[%mul3A_76, %dma_wait3A_84] : memref<10240x16xf32, #tpu.memory_space<vmem_shared>> -> memref<640x16xf32, #tpu.memory_space<vmem_shared>>
        tpu.wait_dma2 semaphore(%run_scoped3A : memref<!tpu.dma_semaphore, #tpu.memory_space<semaphore_mem>>) src(%dma_wait3A_85 : memref<640x16xf32, #tpu.memory_space<vmem_shared>>) dst(%dma_wait3A_83 : memref<640x16xf32, #tpu.memory_space<hbm>>)
        tpu.yield
      }) : () -> ()
    } else {
    }
    %eq3A_67 = arith.constant 1 : i32
    %eq3A_68 = arith.cmpi eq, %arg0, %eq3A_67 : i32
    %eq3A_69 = arith.constant 15 : i32
    %eq3A_70 = arith.cmpi eq, %arg1, %eq3A_69 : i32
    %and3A_71 = arith.andi %eq3A_68, %eq3A_70 : i1
    %convert_element_type3A_72 = arith.extui %and3A_71 : i1 to i32
    %cond3A_73 = arith.constant 0 : i32
    %cond3A_74 = arith.cmpi ne, %convert_element_type3A_72, %cond3A_73 : i32
    scf.if %cond3A_74 {
      "tpu.region"() ({
        %run_scoped3A = tpu.sem_alloc : memref<!tpu.dma_semaphore, #tpu.memory_space<semaphore_mem>>
        %dma_start3A_75 = arith.constant 9600 : i32
        %dma_start3A_76 = arith.constant 0 : i32
        %dma_start3A_77 = tpu.memref_slice %arg4[%dma_start3A_75, %dma_start3A_76] : memref<10000x16xf32, #tpu.memory_space<hbm>> -> memref<400x16xf32, #tpu.memory_space<hbm>>
        %dma_start3A_78 = arith.constant 9600 : i32
        %dma_start3A_79 = arith.constant 0 : i32
        %dma_start3A_80 = tpu.memref_slice %arg8[%dma_start3A_78, %dma_start3A_79] : memref<10240x16xf32, #tpu.memory_space<vmem_shared>> -> memref<400x16xf32, #tpu.memory_space<vmem_shared>>
        tpu.enqueue_dma source(%dma_start3A_80 : memref<400x16xf32, #tpu.memory_space<vmem_shared>>) target(%dma_start3A_77 : memref<400x16xf32, #tpu.memory_space<hbm>>) target_semaphore(%run_scoped3A : memref<!tpu.dma_semaphore, #tpu.memory_space<semaphore_mem>>)
        %dma_wait3A = arith.constant 9600 : i32
        %dma_wait3A_81 = arith.constant 0 : i32
        %dma_wait3A_82 = tpu.memref_slice %arg4[%dma_wait3A, %dma_wait3A_81] : memref<10000x16xf32, #tpu.memory_space<hbm>> -> memref<400x16xf32, #tpu.memory_space<hbm>>
        %dma_wait3A_83 = arith.constant 9600 : i32
        %dma_wait3A_84 = arith.constant 0 : i32
        %dma_wait3A_85 = tpu.memref_slice %arg8[%dma_wait3A_83, %dma_wait3A_84] : memref<10240x16xf32, #tpu.memory_space<vmem_shared>> -> memref<400x16xf32, #tpu.memory_space<vmem_shared>>
        tpu.wait_dma2 semaphore(%run_scoped3A : memref<!tpu.dma_semaphore, #tpu.memory_space<semaphore_mem>>) src(%dma_wait3A_85 : memref<400x16xf32, #tpu.memory_space<vmem_shared>>) dst(%dma_wait3A_82 : memref<400x16xf32, #tpu.memory_space<hbm>>)
        tpu.yield
      }) : () -> ()
    } else {
    }
    return
  }
}

module attributes {stable_mosaic.version = 14 : i64} {
  func.func @body(%arg0: memref<128x10000xf32, #tpu.memory_space<vmem>>, %arg1: memref<128x16xf32, #tpu.memory_space<vmem>>, %arg2: memref<10000x16xf32, #tpu.memory_space<vmem>>, %arg3: memref<10000x16xf32, #tpu.memory_space<vmem>>, %arg4: memref<10000x16xf32, #tpu.memory_space<vmem>>, %arg5: memref<10000x16xf32, #tpu.memory_space<vmem>>) attributes {dimension_semantics = [], scalar_prefetch = 0 : i64, scratch_operands = 0 : i64, tpu.core_type = #tpu.core_type<tc>} {
    %get3A = arith.constant 0 : index
    %get3A_0 = arith.constant 0 : index
    %get3A_1 = vector.load %arg0[%get3A, %get3A_0] : memref<128x10000xf32, #tpu.memory_space<vmem>>, vector<128x10000xf32>
    %get3A_2 = arith.constant 0 : index
    %get3A_3 = arith.constant 0 : index
    %get3A_4 = vector.load %arg1[%get3A_2, %get3A_3] : memref<128x16xf32, #tpu.memory_space<vmem>>, vector<128x16xf32>
    %dot_general3A = arith.constant dense<0.000000e+00> : vector<10000x16xf32>
    %dot_general3A_5 = tpu.matmul %get3A_1, %get3A_4, %dot_general3A {dimension_numbers = #tpu.dot_dimension_numbers<[0], [0], [1], [1], [0, 1, 1, 1], [], []>, transpose_lhs_hint = false} : vector<128x10000xf32>, vector<128x16xf32>, vector<10000x16xf32> -> vector<10000x16xf32>
    %get3A_6 = arith.constant 0 : index
    %get3A_7 = arith.constant 0 : index
    %get3A_8 = vector.load %arg2[%get3A_6, %get3A_7] : memref<10000x16xf32, #tpu.memory_space<vmem>>, vector<10000x16xf32>
    %get3A_9 = arith.constant 0 : index
    %get3A_10 = arith.constant 0 : index
    %get3A_11 = vector.load %arg3[%get3A_9, %get3A_10] : memref<10000x16xf32, #tpu.memory_space<vmem>>, vector<10000x16xf32>
    %add3A = arith.addf %get3A_8, %get3A_11 : vector<10000x16xf32>
    %add3A_12 = arith.constant 1.000000e+00 : f32
    %add3A_13 = vector.broadcast %add3A_12 : f32 to vector<10000x16xf32>
    %add3A_14 = arith.addf %add3A, %add3A_13 : vector<10000x16xf32>
    %rsqrt3A = math.rsqrt %add3A_14 : vector<10000x16xf32>
    %swap3A = arith.constant 0 : index
    %swap3A_15 = arith.constant 0 : index
    %swap3A_16 = vector.load %arg5[%swap3A, %swap3A_15] : memref<10000x16xf32, #tpu.memory_space<vmem>>, vector<10000x16xf32>
    tpu.vector_store %arg5[%swap3A, %swap3A_15], %rsqrt3A {strides = array<i32>} : memref<10000x16xf32, #tpu.memory_space<vmem>>, vector<10000x16xf32>,
    %mul3A = arith.mulf %dot_general3A_5, %rsqrt3A : vector<10000x16xf32>
    %swap3A_17 = arith.constant 0 : index
    %swap3A_18 = arith.constant 0 : index
    %swap3A_19 = vector.load %arg4[%swap3A_17, %swap3A_18] : memref<10000x16xf32, #tpu.memory_space<vmem>>, vector<10000x16xf32>
    tpu.vector_store %arg4[%swap3A_17, %swap3A_18], %mul3A {strides = array<i32>} : memref<10000x16xf32, #tpu.memory_space<vmem>>, vector<10000x16xf32>,
    return
  }
}

module attributes {stable_mosaic.version = 14 : i64} {
  func.func @body(%arg0: memref<10000x16xf32, #tpu.memory_space<vmem>>, %arg1: memref<10000x16xf32, #tpu.memory_space<vmem>>, %arg2: memref<10000x16xf32, #tpu.memory_space<vmem>>, %arg3: memref<10000x16xf32, #tpu.memory_space<vmem>>, %arg4: memref<1x16xf32, #tpu.memory_space<vmem>>, %arg5: memref<10000x16xf32, #tpu.memory_space<vmem>>, %arg6: memref<16x10000xf32, #tpu.memory_space<vmem>>) attributes {dimension_semantics = [], scalar_prefetch = 0 : i64, scratch_operands = 0 : i64, tpu.core_type = #tpu.core_type<tc>} {
    %get3A = arith.constant 0 : index
    %get3A_0 = arith.constant 0 : index
    %get3A_1 = vector.load %arg3[%get3A, %get3A_0] : memref<10000x16xf32, #tpu.memory_space<vmem>>, vector<10000x16xf32>
    %get3A_2 = arith.constant 0 : index
    %get3A_3 = arith.constant 0 : index
    %get3A_4 = vector.load %arg0[%get3A_2, %get3A_3] : memref<10000x16xf32, #tpu.memory_space<vmem>>, vector<10000x16xf32>
    %get3A_5 = arith.constant 0 : index
    %get3A_6 = arith.constant 0 : index
    %get3A_7 = vector.load %arg1[%get3A_5, %get3A_6] : memref<10000x16xf32, #tpu.memory_space<vmem>>, vector<10000x16xf32>
    %add3A = arith.addf %get3A_4, %get3A_7 : vector<10000x16xf32>
    %get3A_8 = arith.constant 0 : index
    %get3A_9 = arith.constant 0 : index
    %get3A_10 = vector.load %arg2[%get3A_8, %get3A_9] : memref<10000x16xf32, #tpu.memory_space<vmem>>, vector<10000x16xf32>
    %add3A_11 = arith.addf %add3A, %get3A_10 : vector<10000x16xf32>
    %mul3A = arith.mulf %get3A_1, %add3A_11 : vector<10000x16xf32>
    %get3A_12 = arith.constant 0 : index
    %get3A_13 = arith.constant 0 : index
    %get3A_14 = vector.load %arg4[%get3A_12, %get3A_13] : memref<1x16xf32, #tpu.memory_space<vmem>>, vector<1x16xf32>
    %add3A_15 = vector.broadcast %get3A_14 : vector<1x16xf32> to vector<10000x16xf32>
    %add3A_16 = arith.addf %mul3A, %add3A_15 : vector<10000x16xf32>
    %swap3A = arith.constant 0 : index
    %swap3A_17 = arith.constant 0 : index
    %swap3A_18 = vector.load %arg5[%swap3A, %swap3A_17] : memref<10000x16xf32, #tpu.memory_space<vmem>>, vector<10000x16xf32>
    tpu.vector_store %arg5[%swap3A, %swap3A_17], %add3A_16 {strides = array<i32>} : memref<10000x16xf32, #tpu.memory_space<vmem>>, vector<10000x16xf32>,
    %transpose3A = tpu.transpose %add3A_16, [1, 0] : vector<10000x16xf32> -> vector<16x10000xf32>
    %swap3A_19 = arith.constant 0 : index
    %swap3A_20 = arith.constant 0 : index
    %swap3A_21 = vector.load %arg6[%swap3A_19, %swap3A_20] : memref<16x10000xf32, #tpu.memory_space<vmem>>, vector<16x10000xf32>
    tpu.vector_store %arg6[%swap3A_19, %swap3A_20], %transpose3A {strides = array<i32>} : memref<16x10000xf32, #tpu.memory_space<vmem>>, vector<16x10000xf32>,
    return
  }
}

module attributes {stable_mosaic.version = 14 : i64} {
  func.func @body(%arg0: i32, %arg1: memref<256x16xf32, #tpu.memory_space<vmem>>, %arg2: memref<16x10000xf32, #tpu.memory_space<vmem>>, %arg3: memref<256x10000xf32, #tpu.memory_space<vmem>>) attributes {dimension_semantics = [#tpu.dimension_semantics<arbitrary>], iteration_bounds = array<i64: 40>, scalar_prefetch = 0 : i64, scratch_operands = 0 : i64, tpu.core_type = #tpu.core_type<tc>, window_params = [{transform_indices = @transform_0, window_bounds = array<i64: 256, 16>}, {pipeline_mode = #tpu.pipeline_mode<synchronous>, transform_indices = @transform_1, window_bounds = array<i64: 16, 10000>}, {transform_indices = @transform_2, window_bounds = array<i64: 256, 10000>}]} {
    %get3A = arith.constant 0 : index
    %get3A_0 = arith.constant 0 : index
    %get3A_1 = vector.load %arg1[%get3A, %get3A_0] : memref<256x16xf32, #tpu.memory_space<vmem>>, vector<256x16xf32>
    %get3A_2 = arith.constant 0 : index
    %get3A_3 = arith.constant 0 : index
    %get3A_4 = vector.load %arg2[%get3A_2, %get3A_3] : memref<16x10000xf32, #tpu.memory_space<vmem>>, vector<16x10000xf32>
    %dot_general3A = arith.constant dense<0.000000e+00> : vector<256x10000xf32>
    %dot_general3A_5 = tpu.matmul %get3A_1, %get3A_4, %dot_general3A {dimension_numbers = #tpu.dot_dimension_numbers<[1], [0], [0], [1], [0, 0, 1, 1], [], []>, transpose_lhs_hint = false} : vector<256x16xf32>, vector<16x10000xf32>, vector<256x10000xf32> -> vector<256x10000xf32>
    %neg3A = arith.constant 0.000000e+00 : f32
    %neg3A_6 = vector.broadcast %neg3A : f32 to vector<256x10000xf32>
    %neg3A_7 = arith.subf %neg3A_6, %dot_general3A_5 : vector<256x10000xf32>
    %exp3A = math.exp %neg3A_7 : vector<256x10000xf32>
    %add3A = arith.constant 1.000000e+00 : f32
    %add3A_8 = vector.broadcast %add3A : f32 to vector<256x10000xf32>
    %add3A_9 = arith.addf %add3A_8, %exp3A : vector<256x10000xf32>
    %div3A = arith.constant 1.000000e+00 : f32
    %div3A_10 = vector.broadcast %div3A : f32 to vector<256x10000xf32>
    %div3A_11 = arith.divf %div3A_10, %add3A_9 : vector<256x10000xf32>
    %swap3A = arith.constant 0 : index
    %swap3A_12 = arith.constant 0 : index
    %swap3A_13 = vector.load %arg3[%swap3A, %swap3A_12] : memref<256x10000xf32, #tpu.memory_space<vmem>>, vector<256x10000xf32>
    tpu.vector_store %arg3[%swap3A, %swap3A_12], %div3A_11 {strides = array<i32>} : memref<256x10000xf32, #tpu.memory_space<vmem>>, vector<256x10000xf32>,
    return
  }
  func.func @transform_0(%arg0: i32) -> (i32, i32) {
    %c0_i32 = arith.constant 0 : i32
    %c0_i32_0 = arith.constant 0 : i32
    return %arg0, %c0_i32 : i32, i32
  }
  func.func @transform_1(%arg0: i32) -> (i32, i32) {
    %c0_i32 = arith.constant 0 : i32
    %c0_i32_0 = arith.constant 0 : i32
    %c0_i32_1 = arith.constant 0 : i32
    return %c0_i32, %c0_i32_0 : i32, i32
  }
  func.func @transform_2(%arg0: i32) -> (i32, i32) {
    %c0_i32 = arith.constant 0 : i32
    %c0_i32_0 = arith.constant 0 : i32
    return %arg0, %c0_i32 : i32, i32
  }
}

</mosaic_0001>

<sc_bundles>
// kernel: kernel.10.cloned.1.call-start
scs
__scs_entry_jumppad:
0x0: {  	(pc) =	sbr.rel $0x88, $3  }
0x1: {  	(tag) =	ssettag $0x0;
	lr =	simm.s32 $0x1  }
0x2: {  	[smem:$0x3F9D] =	sst lr;
	_ =	strace $0xD0000000  }
0x3: {  	_ = 	snop  }
0x4: {  	_ = 	snop  }
0x5: {  	_ = 	snop  }
0x6: {  	_ = 	snop  }
0x7: {  	_ = 	snop  }
__scs_overlays_trampoline_lowered:
0x8: {  	[smem:$0x3FAC] =	sst s0  }
0x9: {  	[smem:$0x3FAD] =	sst s1  }
0xa: {  	[smem:$0x3FAE] =	sst s2  }
0xb: {  	[smem:$0x3FAF] =	sst s3  }
0xc: {  	[smem:$0x3FB0] =	sst s4  }
0xd: {  	[smem:$0x3FB1] =	sst s5  }
0xe: {  	[smem:$0x3FB2] =	sst s6  }
0xf: {  	[smem:$0x3FB3] =	sst s7  }
0x10: {  	[smem:$0x3FB4] =	sst s8  }
0x11: {  	[smem:$0x3FB5] =	sst s9;
	s0 =	simm.s32 @!p0 $0x0  }
0x12: {  	s1 =	sld [smem:$0x3F9B];
	s0 =	simm.s32 @p0 $0x1  }
0x13: {  	[smem:$0x3FB6] =	sst s0;
	s0 =	simm.s32 @!p1 $0x0  }
0x14: {  	s2 =	sld [smem:$0x3F9A];
	s0 =	simm.s32 @p1 $0x1  }
0x15: {  	[smem:$0x3FB7] =	sst s0;
	s0 =	simm.s32 @!p2 $0x0  }
0x16: {  	s3 =	sld [smem:$0x3FDB];
	s0 =	simm.s32 @p2 $0x1  }
0x17: {  	s4 =	simm.s32 $0x1BF5;
	[smem:$0x3FB9] =	sst s0  }
0x18: {  	s0 =	sld [smem:$0x3F9C];
	_ =	swait.ge [sflag:s4], $0x0  }
0x19: {  	s7 =	sld [smem:$0x3F9D]  }
0x1a: {  	s8 =	sadd.s32 $0xFFFFE003, lr  }
0x1b: {  	s9 =	sadd.s32 $0xFFFFFEF7, lr;
	s5 =	simm.s32 $0xFFFFFFFF;
	p2 =	slt.u32 s8, $0xFFFFF086  }
0x1c: {  	p1 =	slt.u32 s9, $0xF7A;
	s5 =	simm.s32 @!p2 $0x0  }
0x1d: {  	s5 =	simm.s32 @p1 $0x1;
	p0 =	seq.s32 s7, s2  }
0x1e: {  	s7 =	smul.u32 @!p0 $0xF7A, s2;
	p2 =	seq.s32 @!p0 s5, $0x0  }
0x1f: {  	s9 =	smul.u32 $0xF7A, s1;
	s8 =	simm.s32 @!p0 $0x1BF5;
	p2 =	por !p2, p0  }
0x20: {  	[sflag:s8] =	ssyncset.s32 @!p0 $0xFFFFF086;
	s6 =	sadd.s32 @!p0 s3, s7;
	s7 =	simm.s32 @!p0 $0x108  }
0x21: {  	s3 =	sadd.s32 s3, s9;
	s6 =	sadd.s32 @!p0 $0x88, s6;
	s7 =	simm.s32 @p2 $0x1082  }
0x22: {  	[simem:s7], [sflag:s8] =	dma.local @!p0 [hbm:s6], $0xF7A  }
0x23: {  	s9 =	sor.u32 $0xD0000000, s2;
	s6 =	simm.s32 $0x108;
	_ =	swait.ge @!p0 [sflag:s8], $0x0  }
0x24: {  	s3 =	sadd.s32 $0x88, s3;
	s6 =	simm.s32 @!p1 $0x1082;
	[sflag:s4] =	ssyncset.s32 $0xFFFFF086  }
0x25: {  	[simem:s6], [sflag:s4] =	dma.local [hbm:s3], $0xF7A  }
0x26: {  	[smem:$0x3F9D] =	sst s1;
	(tag) =	ssettag s2;
	_ =	strace s9  }
0x27: {  	s1 =	sld [smem:$0x3FAD]  }
0x28: {  	s2 =	sld [smem:$0x3FAE]  }
0x29: {  	s4 =	sld [smem:$0x3FB0]  }
0x2a: {  	p0 =	seq.s32 s5, $0x0;
	s5 =	sld [smem:$0x3FB1]  }
0x2b: {  	s6 =	sld [smem:$0x3FB2]  }
0x2c: {  	s7 =	sld [smem:$0x3FB3]  }
0x2d: {  	s3 =	simm.s32 $0x108;
	s8 =	sld [smem:$0x3FB4]  }
0x2e: {  	s3 =	simm.s32 @!p0 $0x1082;
	s9 =	sld [smem:$0x3FB5]  }
0x2f: {  	lr =	sadd.s32 s0, s3;
	s0 =	sld [smem:$0x3FAC]  }
0x30: {  	s3 =	sld [smem:$0x3FAF]  }
0x31: {  	[smem:$0x3FB8] =	sst s10  }
0x32: {  	s10 =	sld [smem:$0x3FB6];
	_ =	sdelay $0x3  }
0x33: {  	p0 =	seq.s32 s10, $0x1;
	s10 =	sld [smem:$0x3FB8];
	_ =	sdelay $0x3  }
0x34: {  	[smem:$0x3FB8] =	sst s10  }
0x35: {  	s10 =	sld [smem:$0x3FB7];
	_ =	sdelay $0x3  }
0x36: {  	p1 =	seq.s32 s10, $0x1;
	s10 =	sld [smem:$0x3FB8];
	_ =	sdelay $0x3  }
0x37: {  	[smem:$0x3FB8] =	sst s10  }
0x38: {  	s10 =	sld [smem:$0x3FB9]  }
0x39: {  	_ = 	snop;
	(pc) =	sbr.ind lr, $3  }
0x3a: {  	_ = 	snop  }
0x3b: {  	_ = 	snop  }
0x3c: {  	p2 =	seq.s32 s10, $0x1;
	s10 =	sld [smem:$0x3FB8]  }
0x3d: {  	_ =	shalt  }
0x3e: {  	_ =	shalt  }
0x3f: {  	_ =	shalt  }
0x40: {  	_ =	shalt  }
0x41: {  	_ =	shalt  }
0x42: {  	_ =	shalt  }
0x43: {  	_ =	shalt  }
0x44: {  	_ =	shalt  }
0x45: {  	_ =	shalt  }
0x46: {  	_ =	shalt  }
0x47: {  	_ =	shalt  }
0x48: {  	_ =	shalt  }
0x49: {  	_ =	shalt  }
0x4a: {  	_ =	shalt  }
0x4b: {  	_ =	shalt  }
0x4c: {  	_ =	shalt  }
0x4d: {  	_ =	shalt  }
0x4e: {  	_ =	shalt  }
0x4f: {  	_ =	shalt  }
0x50: {  	_ =	shalt  }
0x51: {  	_ =	shalt  }
0x52: {  	_ =	shalt  }
0x53: {  	_ =	shalt  }
0x54: {  	_ =	shalt  }
0x55: {  	_ =	shalt  }
0x56: {  	_ =	shalt  }
0x57: {  	_ =	shalt  }
0x58: {  	_ =	shalt  }
0x59: {  	_ =	shalt  }
0x5a: {  	_ =	shalt  }
0x5b: {  	_ =	shalt  }
0x5c: {  	_ =	shalt  }
0x5d: {  	_ =	shalt  }
0x5e: {  	_ =	shalt  }
0x5f: {  	_ =	shalt  }
0x60: {  	_ =	shalt  }
0x61: {  	_ =	shalt  }
0x62: {  	_ =	shalt  }
0x63: {  	_ =	shalt  }
0x64: {  	_ =	shalt  }
0x65: {  	_ =	shalt  }
0x66: {  	_ =	shalt  }
0x67: {  	_ =	shalt  }
0x68: {  	_ =	shalt  }
0x69: {  	_ =	shalt  }
0x6a: {  	_ =	shalt  }
0x6b: {  	_ =	shalt  }
0x6c: {  	_ =	shalt  }
0x6d: {  	_ =	shalt  }
0x6e: {  	_ =	shalt  }
0x6f: {  	_ =	shalt  }
0x70: {  	_ =	shalt  }
0x71: {  	_ =	shalt  }
0x72: {  	_ =	shalt  }
0x73: {  	_ =	shalt  }
0x74: {  	_ =	shalt  }
0x75: {  	_ =	shalt  }
0x76: {  	_ =	shalt  }
0x77: {  	_ =	shalt  }
0x78: {  	_ =	shalt  }
0x79: {  	_ =	shalt  }
0x7a: {  	_ =	shalt  }
0x7b: {  	_ =	shalt  }
0x7c: {  	_ =	shalt  }
0x7d: {  	_ =	shalt  }
0x7e: {  	_ =	shalt  }
0x7f: {  	_ =	shalt  }
0x80: {  	_ =	shalt  }
0x81: {  	_ =	shalt  }
0x82: {  	_ =	shalt  }
0x83: {  	_ =	shalt  }
0x84: {  	_ =	shalt  }
0x85: {  	_ =	shalt  }
0x86: {  	_ =	shalt  }
0x87: {  	_ =	shalt  }
.Lfunc_end0:
.L_simem_size_0:
called_computation.1_lowered:
.L_overlay_start_0:
0x88: {  	s2 =	sld [smem:$0x3FD9]  }
0x89: {  	s3 =	sld [smem:$0x3FFE];
	_ =	sdelay $0x1  }
0x8a: {  	s1 =	srdreg.scid  }
0x8b: {  	s0 =	sand.u32 $0x1, s1  }
0x8c: {  	s16 =	sshll.u32 s0, $0xA;
	s2 =	sadd.s32 s3, s2  }
0x8d: {  	s2 =	sadd.s32 s2, s16  }
0x8e: {  	[smem:$0x3FC4] =	sst s2  }
0x8f: {  	_ = 	snop  }
0x90: {  	(tm) =	ssettm $0x1  }
0x91: {  	s17 =	sld [smem:$0x3FFB];
	_ =	sdelay $0x3  }
0x92: {  	_ =	strace s17  }
0x93: {  	s2 =	sld [smem:$0x3FFC];
	_ =	sdelay $0x3  }
0x94: {  	_ =	strace s2  }
0x95: {  	s2 =	sld [smem:$0x3FFD];
	_ =	sdelay $0x3  }
0x96: {  	_ =	strace s2  }
0x97: {  	_ =	strace $0x8FFFFFFF  }
0x98: {  	s18 =	sld [smem:$0x3FDB];
	_ =	sdelay $0x1  }
0x99: {  	s19 =	simm.s32 $_scs_section_size  }
0x9a: {  	s4 =	simm.s32 $_size__tile_overlayer_lowered;
	s5 =	simm.s32 $_tile_overlayer_lowered  }
0x9b: {  	s22 =	simm.s32 $0x1BFF;
	s21 =	sshll.u32 s5, $0x1;
	s2 =	sadd.s32 s19, s18  }
0x9c: {  	s6 =	simm.s32 $0x0;
	s20 =	sshll.u32 s4, $0x1;
	s4 =	sadd.s32 s21, s2  }
0x9d: {  	[timem:s6], [sflag:s22] =	dma.local [hbm:s4], s20  }
0x9e: {  	_ =	swait.ge [sflag:s22], s20  }
0x9f: {  	s3 =	ssub.s32 $0x0, s20;
	[sflag:s22] =	ssyncset.done $0x0  }
0xa0: {  	[sflag:s22] =	ssyncadd.s32 s3;
	_ =	sdelay $0x1  }
0xa1: {  	s23 =	simm.s32 $0x1B8B  }
0xa2: {  	_ =	swait.ge [sflag:s23], $0x1  }
0xa3: {  	[sflag:s23] =	ssyncset.done $0x0  }
0xa4: {  	s25 =	simm.s32 $0x1B8E;
	s24 =	sld [smem:$0x3FFE];
	[sflag:s23] =	ssyncadd.s32 $0xFFFFFFFF  }
0xa5: {  	s26 =	simm.s32 $execute0_lowered;
	[smem:$0x3FD2] =	sst s25  }
0xa6: {  	s4 =	sshll.u32 s26, $0x1;
	_ =	strace $0x80000049;
	[dreg:$0x1] =	wrdreg $0xFFFFFFFF  }
0xa7: {  	s28 =	simm.s32 $_size_execute0_lowered;
	s2 =	sadd.s32 s2, s4;
	[dreg:$0x0] =	wrdreg $0x0  }
0xa8: {  	s4 =	sshll.u32 s28, $0x1;
	[dreg:$0x2] =	wrdreg s2  }
0xa9: {  	[dreg:$0x3] =	wrdreg s4  }
0xaa: {  	[dreg:$0x4] =	wrdreg $0xC0  }
0xab: {  	_ =	task [dreg:s6], $0x5FFFF  }
0xac: {  	[dreg:$0x1] =	wrdreg $0xFFFFFFFF  }
0xad: {  	[dreg:$0x0] =	wrdreg $0x60  }
0xae: {  	[dreg:$0x2] =	wrdreg s24  }
0xaf: {  	[dreg:$0x3] =	wrdreg $0x3FA00  }
0xb0: {  	[dreg:$0x4] =	wrdreg $0x9  }
0xb1: {  	_ =	task.clear_ibuf [dreg:s6], $0x5FFFF;
	_ =	strace $0x90000049  }
0xb2: {  	s29 =	simm.s32 $0x9;
	_ =	strace $0x8000004B  }
0xb3: {  	_ =	swait.ge [sflag:s29], $0x1  }
0xb4: {  	[sflag:s29] =	ssyncadd.s32 $0xFFFFFFFF  }
0xb5: {  	_ =	strace $0x9000004B  }
0xb6: {  	_ =	sfence  }
0xb7: {  	s30 =	sld [smem:$0x0];
	_ =	sdelay $0x2  }
0xb8: {  	s31 =	sshll.u32 s1, $0xD;
	s1 =	sshrl.u32 s1, $0x2  }
0xb9: {  	s3 =	sand.u32 $0x4000, s31;
	s1 =	sadd.s32 s1, s30  }
0xba: {  	s0 =	sor.u32 s3, s0;
	s1 =	sshll.u32 s1, $0x11  }
0xbb: {  	s0 =	sor.u32 s1, s0  }
0xbc: {  	s0 =	sadd.s32 $0x8F2B, s0  }
0xbd: {  	[sflag:s0] =	ssyncadd.remote.s32 $0x1  }
0xbe: {  	_ =	sfence.sel $0xFFFF  }
0xbf: {  	[dreg:$0x0] =	wrdreg $0xFFFFFFFF;
	(pc) =	sbr.abs _section_cstart, $3  }
0xc0: {  	[dreg:$0x1] =	wrdreg $0xFFFFFFFF  }
0xc1: {  	_ =	task.clear_ibuf [dreg:s6], $0x2FFFF;
	_ =	strace $0x9FFFFFFF  }
0xc2: {  	(tm) =	ssettm $0x7FFFFFFF  }
0xc3: {  	_ =	shalt  }
tec
execute0_lowered:
.L_overlay_start_1:
0x0: {  	(tag) =	ssettag $0x1  }
0x1: {  	s0 =	srdreg.scid;
	s6 =	rddreg [dreg:$0x0]  }
0x2: {  	s2 =	rddreg [dreg:$0x1];
	s1 =	stileid.u32;
	s3 =	simm.s32 $0x0  }
0x3: {  	s17 =	simm.s32 $0x3;
	s19 =	simm.s32 $0x37A0;
	s20 =	simm.s32 $0x7D  }
0x4: {  	s21 =	simm.s32 $0x2800;
	s22 =	simm.s32 $0x2FD0;
	s23 =	simm.s32 $0x1  }
0x5: {  	s24 =	simm.s32 $0x2;
	s28 =	simm.s32 $0x2700;
	s29 =	simm.s32 $0x2780  }
0x6: {  	s30 =	simm.s32 $0x0;
	s0 =	sand.u32 $0x1, s0;
	s9 =	smul.u32 $0xA000, s1  }
0x7: {  	[smem:$0x7FF] =	sst s3;
	s26 =	sadd.s32 $0x15800, s6;
	s14 =	smul.u32 $0x2800, s1  }
0x8: {  	p4 =	sne.s32 s1, $0xF;
	p0 =	seq.s32 s1, $0xF;
	s25 =	sadd.s32 $0x25800, s2  }
0x9: {  	s4 =	sshll.u32 s0, $0x4;
	_ =	strace $0x8000004A;
	s7 =	ssub.s32 $0x2, s0  }
0xa: {  	p2 =	seq.s32 s0, $0x0;
	[dreg:$0x3] =	wrdreg s26;
	s25 =	sshrl.u32 s25, $0x3  }
0xb: {  	s4 =	sor.u32 s1, s4;
	s10 =	sshrl.u32 s7, $0x1;
	s9 =	sshrl.u32 s9, $0x2  }
0xc: {  	p1 =	por !p2, !p4;
	p3 =	por !p2, !p0;
	p2 =	seq.s32 s0, $0x1  }
0xd: {  	s31 =	sshrl.u32 s14, $0x3;
	s5 =	smul.u32 $0x280, s4;
	s4 =	sadd.s32 $0x6800, s6  }
0xe: {  	s16 =	ssub.s32 s7, s10;
	s13 =	sadd.s32 s9, s2;
	s9 =	sadd.s32 s14, s2  }
0xf: {  	p1 =	por !p1, !p1;
	p3 =	por !p3, !p3;
	p4 =	por !p4, !p2  }
.Ltmp0:
0x10: {  	s10 =	sadd.s32 $0x800, s13;
	s11 =	sadd.s32 $0x1000, s13;
	(pc) =	sbr.rel .LBB2_1-.Ltmp0, $4  }
0x11: {  	s12 =	sadd.s32 $0x1800, s13;
	s13 =	sadd.s32 $0x2000, s13;
	p4 =	por !p4, !p4  }
0x12: {  	s16 =	smax.u32 s16, $0x1;
	s8 =	sadd.s32 s5, s6;
	s6 =	sadd.s32 $0xB800, s6  }
0x13: {  	s5 =	sadd.s32 s26, s31;
	s26 =	simm.s32 $0x1380;
	s7 =	sadd.s32 $0x10800, s8  }
0x14: {  	v0 =	vimm.f32 $0.0e+00;
	s8 =	sadd.s32 $0x1800, s8;
	[dreg:$0x4] =	wrdreg s5;
	s15 =	sadd.s32 s6, s31  }
.LBB2_9:
0x15: {  	s5 =	sshll.u32 s31, $0x6  }
0x16: {  	s0 =	sadd.s32 $0x4B00, s0;
	s5 =	sor.u32 $0x1C03, s5  }
0x17: {  	[hbm:s0], [sflag:s5] =	dma.local [spmem:s25], $0x320  }
0x18: {  	_ =	swait.ge [sflag:s17], $0x320  }
0x19: {  	[sflag:s17] =	ssyncset.done $0x0  }
0x1a: {  	[sflag:s17] =	ssyncadd.s32 $0xFFFFFCE0  }
.LBB2_10:
0x1b: {  	s30 =	sadd.s32 $0x1, s30  }
0x1c: {  	p5 =	sne.s32 s30, s16  }
.Ltmp1:
0x1d: {  	_ = 	snop;
	(pc) =	sbr.rel @!p5 .LBB2_11-.Ltmp1, $1  }
0x1e: {  	_ =	sdelay $0x3  }
.LBB2_1:
0x1f: {  	[tilespmem:s3], [sflag:$0x3] =	stream.linear.gather [hbm4b:s7+s3], $0x1400, $0x38;
	[tilespmem:$0x67A0] =	vst v63  }
0x20: {  	_ =	swait.ge [sflag:s17], $0x1400  }
0x21: {  	[sflag:s17] =	ssyncset.done $0x0  }
0x22: {  	s0 =	simm.s32 $0x1400;
	[sflag:s17] =	ssyncadd.s32 $0xFFFFEC00  }
0x23: {  	[tilespmem:s0], [sflag:$0x3] =	stream.linear.gather [hbm4b:s8+s3], $0x1400, $0x38;
	[tilespmem:$0x67A0] =	vst v63  }
0x24: {  	_ =	swait.ge [sflag:s17], $0x1400  }
0x25: {  	[sflag:s17] =	ssyncset.done $0x0  }
0x26: {  	s31 =	simm.s32 $0x40;
	s0 =	simm.s32 $0x0;
	[sflag:s17] =	ssyncadd.s32 $0xFFFFEC00  }
.LBB2_2:
0x27: {  	p5 =	sne.s32 s31, $0x1FC0;
	[tilespmem:s0+$0x37A0] =	vst v0;
	s0 =	smov.u32 s31;
	s31 =	sadd.s32 $0x40, s31  }
.Ltmp2:
0x28: {  	(pc) =	sbr.rel @p5 .LBB2_2-.Ltmp2, $2  }
0x29: {  	_ =	sdelay $0x2  }
0x2a: {  	s0 =	sshra.s32 s0, $0x2  }
0x2b: {  	[tilespmem:s0+$0x37A0] =	vst v0  }
0x2c: {  	[spmem:s9] =	stream.linear.scatter [tilespmem:s19], [sflag:$0x3], $0x800, $0x38;
	[tilespmem:$0x67A0] =	vst v63  }
0x2d: {  	_ =	swait.ge [sflag:s17], $0x800  }
0x2e: {  	[sflag:s17] =	ssyncset.done $0x0  }
0x2f: {  	[sflag:s17] =	ssyncadd.s32 $0xFFFFF800  }
0x30: {  	[spmem:s10] =	stream.linear.scatter [tilespmem:s19], [sflag:$0x3], $0x800, $0x38;
	[tilespmem:$0x67A0] =	vst v63  }
0x31: {  	_ =	swait.ge [sflag:s17], $0x800  }
0x32: {  	[sflag:s17] =	ssyncset.done $0x0  }
0x33: {  	[sflag:s17] =	ssyncadd.s32 $0xFFFFF800  }
0x34: {  	[spmem:s11] =	stream.linear.scatter [tilespmem:s19], [sflag:$0x3], $0x800, $0x38;
	[tilespmem:$0x67A0] =	vst v63  }
0x35: {  	_ =	swait.ge [sflag:s17], $0x800  }
0x36: {  	[sflag:s17] =	ssyncset.done $0x0  }
0x37: {  	[sflag:s17] =	ssyncadd.s32 $0xFFFFF800  }
0x38: {  	[spmem:s12] =	stream.linear.scatter [tilespmem:s19], [sflag:$0x3], $0x800, $0x38;
	[tilespmem:$0x67A0] =	vst v63  }
0x39: {  	_ =	swait.ge [sflag:s17], $0x800  }
0x3a: {  	[sflag:s17] =	ssyncset.done $0x0  }
0x3b: {  	[sflag:s17] =	ssyncadd.s32 $0xFFFFF800  }
0x3c: {  	[spmem:s13] =	stream.linear.scatter [tilespmem:s19], [sflag:$0x3], $0x800, $0x38;
	[tilespmem:$0x67A0] =	vst v63  }
0x3d: {  	_ =	swait.ge [sflag:s17], $0x800  }
0x3e: {  	[sflag:s17] =	ssyncset.done $0x0  }
0x3f: {  	[sflag:s17] =	ssyncadd.s32 $0xFFFFF800  }
0x40: {  	s14 =	simm.s32 $0x0;
	[bflag:$0x0] =	sbarrier.arrive $0xFFFF  }
0x41: {  	[tilespmem:s21], [sflag:$0x1] =	stream.indirect.gather [hbm4b:s4+s20], $0x10, s14, s20, $0xb8;
	[tilespmem:$0x67A0] =	vst v63  }
0x42: {  	s18 =	simm.s32 $0x80  }
0x43: {  	[tilespmem:s22], [sflag:$0x2] =	stream.indirect.gather [hbm4b:s4+s20], $0x10, s18, s20, $0xb8;
	[tilespmem:$0x67A0] =	vst v63  }
0x44: {  	_ =	swait.ge [sflag:s23], $0x7D0  }
0x45: {  	[sflag:s23] =	ssyncset.done $0x0  }
0x46: {  	s5 =	simm.s32 $0x1400;
	[sflag:s23] =	ssyncadd.s32 $0xFFFFF830  }
0x47: {  	[spmem:s2] =	stream.indirect.scatter.add.f32 [tilespmem:s21], [sflag:$0x3], $0x10, s5, s20, $0xb8;
	[tilespmem:$0x67A0] =	vst v63  }
0x48: {  	_ =	swait.ge [sflag:s17], $0x7D0  }
0x49: {  	[sflag:s17] =	ssyncset.done $0x0  }
0x4a: {  	s14 =	simm.s32 $0x100;
	[sflag:s17] =	ssyncadd.s32 $0xFFFFF830  }
0x4b: {  	[tilespmem:s21], [sflag:$0x1] =	stream.indirect.gather [hbm4b:s4+s20], $0x10, s14, s20, $0xb8;
	[tilespmem:$0x67A0] =	vst v63  }
0x4c: {  	_ =	swait.ge [sflag:s24], $0x7D0  }
0x4d: {  	[sflag:s24] =	ssyncset.done $0x0  }
0x4e: {  	s18 =	simm.s32 $0x1480;
	[sflag:s24] =	ssyncadd.s32 $0xFFFFF830  }
0x4f: {  	[spmem:s2] =	stream.indirect.scatter.add.f32 [tilespmem:s22], [sflag:$0x3], $0x10, s18, s20, $0xb8;
	[tilespmem:$0x67A0] =	vst v63  }
0x50: {  	_ =	swait.ge [sflag:s17], $0x7D0  }
0x51: {  	s0 =	simm.s32 $0x800;
	s31 =	simm.s32 $0x100;
	[sflag:s17] =	ssyncset.done $0x0  }
.LBB2_4:
0x52: {  	s5 =	sadd.s32 $0x80, s31  }
0x53: {  	[sflag:s17] =	ssyncadd.s32 $0xFFFFF830;
	s18 =	smov.u32 s0;
	s14 =	sadd.s32 $0x400, s0  }
0x54: {  	[tilespmem:s22], [sflag:$0x2] =	stream.indirect.gather [hbm4b:s4+s20], $0x10, s5, s20, $0xb8;
	[tilespmem:$0x67A0] =	vst v63  }
0x55: {  	p5 =	sne.s32 s0, $0x4800;
	_ =	swait.ge [sflag:s23], $0x7D0  }
0x56: {  	[sflag:s23] =	ssyncset.done $0x0  }
0x57: {  	s0 =	sadd.s32 $0x1400, s31;
	[sflag:s23] =	ssyncadd.s32 $0xFFFFF830  }
0x58: {  	[spmem:s2] =	stream.indirect.scatter.add.f32 [tilespmem:s21], [sflag:$0x3], $0x10, s0, s20, $0xb8;
	[tilespmem:$0x67A0] =	vst v63  }
0x59: {  	_ =	swait.ge [sflag:s17], $0x7D0  }
0x5a: {  	[sflag:s17] =	ssyncset.done $0x0  }
0x5b: {  	s0 =	sadd.s32 $0x100, s31;
	[sflag:s17] =	ssyncadd.s32 $0xFFFFF830  }
0x5c: {  	[tilespmem:s21], [sflag:$0x1] =	stream.indirect.gather [hbm4b:s4+s20], $0x10, s0, s20, $0xb8;
	[tilespmem:$0x67A0] =	vst v63  }
0x5d: {  	_ =	swait.ge [sflag:s24], $0x7D0  }
.Ltmp3:
0x5e: {  	[sflag:s24] =	ssyncset.done $0x0;
	(pc) =	sbr.rel @p5 .LBB2_4-.Ltmp3, $4  }
0x5f: {  	s0 =	sadd.s32 $0x1480, s31;
	[sflag:s24] =	ssyncadd.s32 $0xFFFFF830  }
0x60: {  	[spmem:s2] =	stream.indirect.scatter.add.f32 [tilespmem:s22], [sflag:$0x3], $0x10, s0, s20, $0xb8;
	[tilespmem:$0x67A0] =	vst v63  }
0x61: {  	_ =	swait.ge [sflag:s17], $0x7D0  }
0x62: {  	s31 =	sshra.s32 s18, $0x2;
	s0 =	smov.u32 s14;
	[sflag:s17] =	ssyncset.done $0x0  }
0x63: {  	s0 =	sadd.s32 $0x80, s31;
	[sflag:s17] =	ssyncadd.s32 $0xFFFFF830  }
0x64: {  	[tilespmem:s22], [sflag:$0x2] =	stream.indirect.gather [hbm4b:s4+s20], $0x10, s0, s20, $0xb8;
	[tilespmem:$0x67A0] =	vst v63  }
0x65: {  	_ =	swait.ge [sflag:s23], $0x7D0  }
0x66: {  	[sflag:s23] =	ssyncset.done $0x0  }
0x67: {  	s14 =	sadd.s32 $0x1400, s31;
	[sflag:s23] =	ssyncadd.s32 $0xFFFFF830  }
0x68: {  	[spmem:s2] =	stream.indirect.scatter.add.f32 [tilespmem:s21], [sflag:$0x3], $0x10, s14, s20, $0xb8;
	[tilespmem:$0x67A0] =	vst v63  }
0x69: {  	_ =	swait.ge [sflag:s17], $0x7D0  }
0x6a: {  	[sflag:s17] =	ssyncset.done $0x0  }
0x6b: {  	s18 =	sadd.s32 $0x100, s31;
	[sflag:s17] =	ssyncadd.s32 $0xFFFFF830  }
0x6c: {  	[tilespmem:s21], [sflag:$0x1] =	stream.indirect.gather [hbm4b:s4+s20], $0x10, s18, s20, $0xb8;
	[tilespmem:$0x67A0] =	vst v63  }
0x6d: {  	_ =	swait.ge [sflag:s24], $0x7D0  }
0x6e: {  	[sflag:s24] =	ssyncset.done $0x0  }
0x6f: {  	s31 =	sadd.s32 $0x1480, s31;
	[sflag:s24] =	ssyncadd.s32 $0xFFFFF830  }
0x70: {  	[spmem:s2] =	stream.indirect.scatter.add.f32 [tilespmem:s22], [sflag:$0x3], $0x10, s31, s20, $0xb8;
	[tilespmem:$0x67A0] =	vst v63  }
0x71: {  	_ =	swait.ge [sflag:s17], $0x7D0  }
0x72: {  	[sflag:s17] =	ssyncset.done $0x0  }
0x73: {  	[sflag:s17] =	ssyncadd.s32 $0xFFFFF830  }
0x74: {  	[tilespmem:s22], [sflag:$0x2] =	stream.indirect.gather [hbm4b:s4+s20], $0x10, s26, s20, $0xb8;
	[tilespmem:$0x67A0] =	vst v63  }
0x75: {  	_ =	swait.ge [sflag:s23], $0x7D0  }
0x76: {  	[sflag:s23] =	ssyncset.done $0x0  }
0x77: {  	[sflag:s23] =	ssyncadd.s32 $0xFFFFF830  }
0x78: {  	[spmem:s2] =	stream.indirect.scatter.add.f32 [tilespmem:s21], [sflag:$0x3], $0x10, s28, s20, $0xb8;
	[tilespmem:$0x67A0] =	vst v63  }
0x79: {  	_ =	swait.ge [sflag:s17], $0x7D0  }
0x7a: {  	[sflag:s17] =	ssyncset.done $0x0  }
0x7b: {  	[sflag:s17] =	ssyncadd.s32 $0xFFFFF830  }
0x7c: {  	_ =	swait.ge [sflag:s24], $0x7D0  }
0x7d: {  	[sflag:s24] =	ssyncset.done $0x0  }
0x7e: {  	[sflag:s24] =	ssyncadd.s32 $0xFFFFF830  }
0x7f: {  	[spmem:s2] =	stream.indirect.scatter.add.f32 [tilespmem:s22], [sflag:$0x3], $0x10, s29, s20, $0xb8;
	[tilespmem:$0x67A0] =	vst v63  }
.Ltmp4:
0x80: {  	_ =	swait.ge [sflag:s17], $0x7D0;
	(pc) =	sbr.rel @!p1 .LBB2_7-.Ltmp4, $3  }
0x81: {  	[sflag:s17] =	ssyncset.done $0x0  }
0x82: {  	[sflag:s17] =	ssyncadd.s32 $0xFFFFF830  }
0x83: {  	[bflag:$0x0] =	sbarrier.arrive $0xFFFF;
	_ =	sdelay $0x1  }
0x84: {  	s0 =	sshll.u32 s1, $0x6;
	s5 =	sshrl.u32 s9, $0x3  }
.Ltmp5:
0x85: {  	s14 =	rddreg [dreg:$0x4];
	s0 =	sor.u32 $0x1C03, s0;
	(pc) =	sbr.rel .LBB2_8-.Ltmp5, $4  }
0x86: {  	[hbm:s14], [sflag:s0] =	dma.local [spmem:s5], $0x500  }
0x87: {  	_ =	swait.ge [sflag:s17], $0x500  }
0x88: {  	[sflag:s17] =	ssyncset.done $0x0  }
0x89: {  	p5 =	por $0x0, $0x0;
	[sflag:s17] =	ssyncadd.s32 $0xFFFFFB00  }
.LBB2_7:
.Ltmp6:
0x8a: {  	(pc) =	sbr.rel @p3 .LBB2_9-.Ltmp6, $2  }
0x8b: {  	_ =	sdelay $0x2  }
0x8c: {  	s31 =	simm.s32 $0xF;
	p5 =	por p0, p0;
	s0 =	rddreg [dreg:$0x3]  }
.LBB2_8:
0x8d: {  	s0 =	sshll.u32 @p4 s1, $0x6;
	p6 =	por @p4 $0x1, $0x1  }
0x8e: {  	s5 =	sshrl.u32 @p4 s9, $0x3;
	s0 =	sor.u32 @p4 $0x1C03, s0;
	p6 =	por @!p4 p2, p2  }
0x8f: {  	[hbm:s15], [sflag:s0] =	dma.local @p4 [spmem:s5], $0x500  }
0x90: {  	p5 =	por !p6, !p5  }
0x91: {  	p5 =	por !p5, !p5  }
.Ltmp7:
0x92: {  	_ = 	snop;
	(pc) =	sbr.rel @!p5 .LBB2_10-.Ltmp7, $4  }
.Ltmp8:
0x93: {  	s0 =	simm.s32 @p4 $0x3;
	(pc) =	sbr.rel @p5 .LBB2_9-.Ltmp8, $4  }
0x94: {  	_ =	swait.ge @p4 [sflag:s0], $0x500  }
0x95: {  	[sflag:s0] =	ssyncset.done @p4 $0x0  }
0x96: {  	s31 =	stileid.u32;
	[sflag:s0] =	ssyncadd.s32 @p4 $0xFFFFFB00;
	s0 =	smov.u32 s6  }
0x97: {  	_ = 	snop  }
.LBB2_11:
0x98: {  	_ =	sfence.sel $0x180000  }
0x99: {  	[bflag:$0x0] =	sbarrier.arrive $0xFFFF  }
0x9a: {  	_ =	strace $0x9000004A  }
0x9b: {  	[bflag:$0x2] =	sbarrier.arrive $0xFFFF  }
0x9c: {  	p0 =	sne.s32 s1, $0x0;
	s0 =	rddreg [dreg:$0x2]  }
0x9d: {  	s0 =	sadd.s32 @!p0 $0x100000, s0  }
0x9e: {  	[sflag:s0] =	ssyncadd.tile.s32 @!p0 $0x1;
	_ =	shalt  }
.Lfunc_end2:
_tile_overlayer_lowered:
.L_overlay_start_2:
0x9f: {  	(tag) =	ssettag $0x2  }
0xa0: {  	s0 =	rddreg [dreg:$0x0];
	s2 =	stileid.u32  }
0xa1: {  	s1 =	rddreg [dreg:$0x1];
	p0 =	sne.s32 s2, $0x0  }
0xa2: {  	s3 =	rddreg [dreg:$0x2];
	[bflag:$0x3] =	sbarrier.arrive $0xFFFF;
	s2 =	simm.s32 @!p0 $0x1C03  }
0xa3: {  	[timem:s3], [sflag:s2] =	dma.local @!p0 [hbm:s0], s1  }
0xa4: {  	s0 =	simm.s32 @!p0 $0x3  }
0xa5: {  	_ =	swait.ge @!p0 [sflag:s0], s1  }
0xa6: {  	s1 =	ssub.s32 @!p0 $0x0, s1;
	[sflag:s0] =	ssyncset.done @!p0 $0x0  }
0xa7: {  	[sflag:s0] =	ssyncadd.s32 @!p0 s1  }
0xa8: {  	[bflag:$0x3] =	sbarrier.arrive $0xFFFF  }
0xa9: {  	_ =	shalt  }

// kernel: kernel.7.cloned.1.call-start
scs
__scs_entry_jumppad:
0x0: {  	(pc) =	sbr.rel $0x88, $3  }
0x1: {  	(tag) =	ssettag $0x0;
	lr =	simm.s32 $0x1  }
0x2: {  	[smem:$0x3F9D] =	sst lr;
	_ =	strace $0xD0000000  }
0x3: {  	_ = 	snop  }
0x4: {  	_ = 	snop  }
0x5: {  	_ = 	snop  }
0x6: {  	_ = 	snop  }
0x7: {  	_ = 	snop  }
__scs_overlays_trampoline_lowered:
0x8: {  	[smem:$0x3FAC] =	sst s0  }
0x9: {  	[smem:$0x3FAD] =	sst s1  }
0xa: {  	[smem:$0x3FAE] =	sst s2  }
0xb: {  	[smem:$0x3FAF] =	sst s3  }
0xc: {  	[smem:$0x3FB0] =	sst s4  }
0xd: {  	[smem:$0x3FB1] =	sst s5  }
0xe: {  	[smem:$0x3FB2] =	sst s6  }
0xf: {  	[smem:$0x3FB3] =	sst s7  }
0x10: {  	[smem:$0x3FB4] =	sst s8  }
0x11: {  	[smem:$0x3FB5] =	sst s9;
	s0 =	simm.s32 @!p0 $0x0  }
0x12: {  	s1 =	sld [smem:$0x3F9B];
	s0 =	simm.s32 @p0 $0x1  }
0x13: {  	[smem:$0x3FB6] =	sst s0;
	s0 =	simm.s32 @!p1 $0x0  }
0x14: {  	s2 =	sld [smem:$0x3F9A];
	s0 =	simm.s32 @p1 $0x1  }
0x15: {  	[smem:$0x3FB7] =	sst s0;
	s0 =	simm.s32 @!p2 $0x0  }
0x16: {  	s3 =	sld [smem:$0x3FDB];
	s0 =	simm.s32 @p2 $0x1  }
0x17: {  	s4 =	simm.s32 $0x1BF5;
	[smem:$0x3FB9] =	sst s0  }
0x18: {  	s0 =	sld [smem:$0x3F9C];
	_ =	swait.ge [sflag:s4], $0x0  }
0x19: {  	s7 =	sld [smem:$0x3F9D]  }
0x1a: {  	s8 =	sadd.s32 $0xFFFFE003, lr  }
0x1b: {  	s9 =	sadd.s32 $0xFFFFFEF7, lr;
	s5 =	simm.s32 $0xFFFFFFFF;
	p2 =	slt.u32 s8, $0xFFFFF086  }
0x1c: {  	p1 =	slt.u32 s9, $0xF7A;
	s5 =	simm.s32 @!p2 $0x0  }
0x1d: {  	s5 =	simm.s32 @p1 $0x1;
	p0 =	seq.s32 s7, s2  }
0x1e: {  	s7 =	smul.u32 @!p0 $0xF7A, s2;
	p2 =	seq.s32 @!p0 s5, $0x0  }
0x1f: {  	s9 =	smul.u32 $0xF7A, s1;
	s8 =	simm.s32 @!p0 $0x1BF5;
	p2 =	por !p2, p0  }
0x20: {  	[sflag:s8] =	ssyncset.s32 @!p0 $0xFFFFF086;
	s6 =	sadd.s32 @!p0 s3, s7;
	s7 =	simm.s32 @!p0 $0x108  }
0x21: {  	s3 =	sadd.s32 s3, s9;
	s6 =	sadd.s32 @!p0 $0x88, s6;
	s7 =	simm.s32 @p2 $0x1082  }
0x22: {  	[simem:s7], [sflag:s8] =	dma.local @!p0 [hbm:s6], $0xF7A  }
0x23: {  	s9 =	sor.u32 $0xD0000000, s2;
	s6 =	simm.s32 $0x108;
	_ =	swait.ge @!p0 [sflag:s8], $0x0  }
0x24: {  	s3 =	sadd.s32 $0x88, s3;
	s6 =	simm.s32 @!p1 $0x1082;
	[sflag:s4] =	ssyncset.s32 $0xFFFFF086  }
0x25: {  	[simem:s6], [sflag:s4] =	dma.local [hbm:s3], $0xF7A  }
0x26: {  	[smem:$0x3F9D] =	sst s1;
	(tag) =	ssettag s2;
	_ =	strace s9  }
0x27: {  	s1 =	sld [smem:$0x3FAD]  }
0x28: {  	s2 =	sld [smem:$0x3FAE]  }
0x29: {  	s4 =	sld [smem:$0x3FB0]  }
0x2a: {  	p0 =	seq.s32 s5, $0x0;
	s5 =	sld [smem:$0x3FB1]  }
0x2b: {  	s6 =	sld [smem:$0x3FB2]  }
0x2c: {  	s7 =	sld [smem:$0x3FB3]  }
0x2d: {  	s3 =	simm.s32 $0x108;
	s8 =	sld [smem:$0x3FB4]  }
0x2e: {  	s3 =	simm.s32 @!p0 $0x1082;
	s9 =	sld [smem:$0x3FB5]  }
0x2f: {  	lr =	sadd.s32 s0, s3;
	s0 =	sld [smem:$0x3FAC]  }
0x30: {  	s3 =	sld [smem:$0x3FAF]  }
0x31: {  	[smem:$0x3FB8] =	sst s10  }
0x32: {  	s10 =	sld [smem:$0x3FB6];
	_ =	sdelay $0x3  }
0x33: {  	p0 =	seq.s32 s10, $0x1;
	s10 =	sld [smem:$0x3FB8];
	_ =	sdelay $0x3  }
0x34: {  	[smem:$0x3FB8] =	sst s10  }
0x35: {  	s10 =	sld [smem:$0x3FB7];
	_ =	sdelay $0x3  }
0x36: {  	p1 =	seq.s32 s10, $0x1;
	s10 =	sld [smem:$0x3FB8];
	_ =	sdelay $0x3  }
0x37: {  	[smem:$0x3FB8] =	sst s10  }
0x38: {  	s10 =	sld [smem:$0x3FB9]  }
0x39: {  	_ = 	snop;
	(pc) =	sbr.ind lr, $3  }
0x3a: {  	_ = 	snop  }
0x3b: {  	_ = 	snop  }
0x3c: {  	p2 =	seq.s32 s10, $0x1;
	s10 =	sld [smem:$0x3FB8]  }
0x3d: {  	_ =	shalt  }
0x3e: {  	_ =	shalt  }
0x3f: {  	_ =	shalt  }
0x40: {  	_ =	shalt  }
0x41: {  	_ =	shalt  }
0x42: {  	_ =	shalt  }
0x43: {  	_ =	shalt  }
0x44: {  	_ =	shalt  }
0x45: {  	_ =	shalt  }
0x46: {  	_ =	shalt  }
0x47: {  	_ =	shalt  }
0x48: {  	_ =	shalt  }
0x49: {  	_ =	shalt  }
0x4a: {  	_ =	shalt  }
0x4b: {  	_ =	shalt  }
0x4c: {  	_ =	shalt  }
0x4d: {  	_ =	shalt  }
0x4e: {  	_ =	shalt  }
0x4f: {  	_ =	shalt  }
0x50: {  	_ =	shalt  }
0x51: {  	_ =	shalt  }
0x52: {  	_ =	shalt  }
0x53: {  	_ =	shalt  }
0x54: {  	_ =	shalt  }
0x55: {  	_ =	shalt  }
0x56: {  	_ =	shalt  }
0x57: {  	_ =	shalt  }
0x58: {  	_ =	shalt  }
0x59: {  	_ =	shalt  }
0x5a: {  	_ =	shalt  }
0x5b: {  	_ =	shalt  }
0x5c: {  	_ =	shalt  }
0x5d: {  	_ =	shalt  }
0x5e: {  	_ =	shalt  }
0x5f: {  	_ =	shalt  }
0x60: {  	_ =	shalt  }
0x61: {  	_ =	shalt  }
0x62: {  	_ =	shalt  }
0x63: {  	_ =	shalt  }
0x64: {  	_ =	shalt  }
0x65: {  	_ =	shalt  }
0x66: {  	_ =	shalt  }
0x67: {  	_ =	shalt  }
0x68: {  	_ =	shalt  }
0x69: {  	_ =	shalt  }
0x6a: {  	_ =	shalt  }
0x6b: {  	_ =	shalt  }
0x6c: {  	_ =	shalt  }
0x6d: {  	_ =	shalt  }
0x6e: {  	_ =	shalt  }
0x6f: {  	_ =	shalt  }
0x70: {  	_ =	shalt  }
0x71: {  	_ =	shalt  }
0x72: {  	_ =	shalt  }
0x73: {  	_ =	shalt  }
0x74: {  	_ =	shalt  }
0x75: {  	_ =	shalt  }
0x76: {  	_ =	shalt  }
0x77: {  	_ =	shalt  }
0x78: {  	_ =	shalt  }
0x79: {  	_ =	shalt  }
0x7a: {  	_ =	shalt  }
0x7b: {  	_ =	shalt  }
0x7c: {  	_ =	shalt  }
0x7d: {  	_ =	shalt  }
0x7e: {  	_ =	shalt  }
0x7f: {  	_ =	shalt  }
0x80: {  	_ =	shalt  }
0x81: {  	_ =	shalt  }
0x82: {  	_ =	shalt  }
0x83: {  	_ =	shalt  }
0x84: {  	_ =	shalt  }
0x85: {  	_ =	shalt  }
0x86: {  	_ =	shalt  }
0x87: {  	_ =	shalt  }
.Lfunc_end0:
.L_simem_size_0:
called_computation_lowered:
.L_overlay_start_0:
0x88: {  	s2 =	sld [smem:$0x3FD9]  }
0x89: {  	s3 =	sld [smem:$0x3FFE];
	_ =	sdelay $0x1  }
0x8a: {  	s1 =	srdreg.scid  }
0x8b: {  	s0 =	sand.u32 $0x1, s1  }
0x8c: {  	s16 =	sshll.u32 s0, $0xA;
	s2 =	sadd.s32 s3, s2  }
0x8d: {  	s2 =	sadd.s32 s2, s16  }
0x8e: {  	[smem:$0x3FC4] =	sst s2  }
0x8f: {  	_ = 	snop  }
0x90: {  	(tm) =	ssettm $0x1  }
0x91: {  	s17 =	sld [smem:$0x3FFB];
	_ =	sdelay $0x3  }
0x92: {  	_ =	strace s17  }
0x93: {  	s2 =	sld [smem:$0x3FFC];
	_ =	sdelay $0x3  }
0x94: {  	_ =	strace s2  }
0x95: {  	s2 =	sld [smem:$0x3FFD];
	_ =	sdelay $0x3  }
0x96: {  	_ =	strace s2  }
0x97: {  	_ =	strace $0x8FFFFFFF  }
0x98: {  	s18 =	sld [smem:$0x3FDB];
	_ =	sdelay $0x1  }
0x99: {  	s19 =	simm.s32 $_scs_section_size  }
0x9a: {  	s4 =	simm.s32 $_size__tile_overlayer_lowered;
	s5 =	simm.s32 $_tile_overlayer_lowered  }
0x9b: {  	s22 =	simm.s32 $0x1BFF;
	s21 =	sshll.u32 s5, $0x1;
	s2 =	sadd.s32 s19, s18  }
0x9c: {  	s6 =	simm.s32 $0x0;
	s20 =	sshll.u32 s4, $0x1;
	s4 =	sadd.s32 s21, s2  }
0x9d: {  	[timem:s6], [sflag:s22] =	dma.local [hbm:s4], s20  }
0x9e: {  	_ =	swait.ge [sflag:s22], s20  }
0x9f: {  	s3 =	ssub.s32 $0x0, s20;
	[sflag:s22] =	ssyncset.done $0x0  }
0xa0: {  	[sflag:s22] =	ssyncadd.s32 s3;
	_ =	sdelay $0x1  }
0xa1: {  	s23 =	simm.s32 $0x1B8B  }
0xa2: {  	_ =	swait.ge [sflag:s23], $0x1  }
0xa3: {  	[sflag:s23] =	ssyncset.done $0x0  }
0xa4: {  	s25 =	simm.s32 $0x1B8E;
	s24 =	sld [smem:$0x3FFE];
	[sflag:s23] =	ssyncadd.s32 $0xFFFFFFFF  }
0xa5: {  	s26 =	simm.s32 $execute0_lowered;
	[smem:$0x3FD2] =	sst s25  }
0xa6: {  	s4 =	sshll.u32 s26, $0x1;
	_ =	strace $0x80000046;
	[dreg:$0x1] =	wrdreg $0xFFFFFFFF  }
0xa7: {  	s28 =	simm.s32 $_size_execute0_lowered;
	s2 =	sadd.s32 s2, s4;
	[dreg:$0x0] =	wrdreg $0x0  }
0xa8: {  	s4 =	sshll.u32 s28, $0x1;
	[dreg:$0x2] =	wrdreg s2  }
0xa9: {  	[dreg:$0x3] =	wrdreg s4  }
0xaa: {  	[dreg:$0x4] =	wrdreg $0xC0  }
0xab: {  	_ =	task [dreg:s6], $0x5FFFF  }
0xac: {  	[dreg:$0x1] =	wrdreg $0xFFFFFFFF  }
0xad: {  	[dreg:$0x0] =	wrdreg $0x60  }
0xae: {  	[dreg:$0x2] =	wrdreg s24  }
0xaf: {  	[dreg:$0x3] =	wrdreg $0x23D00  }
0xb0: {  	[dreg:$0x4] =	wrdreg $0x9  }
0xb1: {  	_ =	task.clear_ibuf [dreg:s6], $0x5FFFF;
	_ =	strace $0x90000046  }
0xb2: {  	s29 =	simm.s32 $0x9;
	_ =	strace $0x80000048  }
0xb3: {  	_ =	swait.ge [sflag:s29], $0x1  }
0xb4: {  	[sflag:s29] =	ssyncadd.s32 $0xFFFFFFFF  }
0xb5: {  	_ =	strace $0x90000048  }
0xb6: {  	_ =	sfence  }
0xb7: {  	s30 =	sld [smem:$0x0];
	_ =	sdelay $0x2  }
0xb8: {  	s31 =	sshll.u32 s1, $0xD;
	s1 =	sshrl.u32 s1, $0x2  }
0xb9: {  	s3 =	sand.u32 $0x4000, s31;
	s1 =	sadd.s32 s1, s30  }
0xba: {  	s0 =	sor.u32 s3, s0;
	s1 =	sshll.u32 s1, $0x11  }
0xbb: {  	s0 =	sor.u32 s1, s0  }
0xbc: {  	s0 =	sadd.s32 $0x8F2B, s0  }
0xbd: {  	[sflag:s0] =	ssyncadd.remote.s32 $0x1  }
0xbe: {  	_ =	sfence.sel $0xFFFF  }
0xbf: {  	[dreg:$0x0] =	wrdreg $0xFFFFFFFF;
	(pc) =	sbr.abs _section_cstart, $3  }
0xc0: {  	[dreg:$0x1] =	wrdreg $0xFFFFFFFF  }
0xc1: {  	_ =	task.clear_ibuf [dreg:s6], $0x2FFFF;
	_ =	strace $0x9FFFFFFF  }
0xc2: {  	(tm) =	ssettm $0x7FFFFFFF  }
0xc3: {  	_ =	shalt  }
tec
execute0_lowered:
.L_overlay_start_1:
0x0: {  	(tag) =	ssettag $0x1  }
0x1: {  	s0 =	srdreg.scid;
	s5 =	rddreg [dreg:$0x0]  }
0x2: {  	s2 =	rddreg [dreg:$0x1];
	s1 =	stileid.u32;
	s3 =	simm.s32 $0x0  }
0x3: {  	s15 =	simm.s32 $0x3;
	s16 =	simm.s32 $0x1BD0;
	s17 =	simm.s32 $0x7D  }
0x4: {  	s18 =	simm.s32 $0x1400;
	s19 =	simm.s32 $0x1;
	s20 =	simm.s32 $0x2  }
0x5: {  	s21 =	simm.s32 $0x1380;
	s12 =	sand.u32 $0x1, s0;
	s0 =	rddreg [dreg:$0x2]  }
0x6: {  	s23 =	simm.s32 $0x0;
	[smem:$0x7FF] =	sst s3;
	s6 =	smul.u32 $0xA000, s1  }
0x7: {  	s13 =	smul.u32 $0x2800, s1;
	p4 =	sne.s32 s1, $0xF;
	p0 =	seq.s32 s1, $0xF  }
0x8: {  	s22 =	sadd.s32 $0x25800, s2;
	s4 =	sshll.u32 s12, $0x4;
	_ =	strace $0x80000047  }
0x9: {  	s8 =	ssub.s32 $0x2, s12;
	p2 =	seq.s32 s12, $0x0;
	p3 =	seq.s32 s12, $0x1  }
0xa: {  	s22 =	sshrl.u32 s22, $0x3;
	s4 =	sor.u32 s1, s4;
	s9 =	sshrl.u32 s8, $0x1  }
0xb: {  	s6 =	sshrl.u32 s6, $0x2;
	p1 =	por !p2, !p4;
	p2 =	por !p2, !p0  }
0xc: {  	p4 =	por !p4, !p3;
	s4 =	smul.u32 $0x280, s4;
	s14 =	ssub.s32 s8, s9  }
0xd: {  	s11 =	sadd.s32 s6, s2;
	p1 =	por !p1, !p1;
	p2 =	por !p2, !p2  }
.Ltmp0:
0xe: {  	p4 =	por !p4, !p4;
	s8 =	sadd.s32 $0x800, s11;
	(pc) =	sbr.rel .LBB2_1-.Ltmp0, $4  }
0xf: {  	s9 =	sadd.s32 $0x1000, s11;
	s10 =	sadd.s32 $0x1800, s11;
	s11 =	sadd.s32 $0x2000, s11  }
0x10: {  	s7 =	sadd.s32 s4, s5;
	s4 =	sadd.s32 $0xB800, s5;
	s5 =	sadd.s32 $0x6800, s5  }
0x11: {  	s6 =	sadd.s32 $0x1800, s7;
	s7 =	sadd.s32 s13, s2;
	s13 =	sshrl.u32 s13, $0x3  }
0x12: {  	v0 =	vimm.f32 $0.0e+00;
	v1 =	vimm.f32 $1.000000000e+00;
	s14 =	smax.u32 s14, $0x1;
	s12 =	sadd.s32 s4, s13;
	s13 =	sadd.s32 s5, s13  }
.LBB2_11:
0x13: {  	s25 =	sshll.u32 s25, $0x6  }
0x14: {  	s24 =	sadd.s32 $0x4B00, s24;
	s25 =	sor.u32 $0x1C03, s25  }
0x15: {  	[hbm:s24], [sflag:s25] =	dma.local [spmem:s22], $0x320  }
0x16: {  	_ =	swait.ge [sflag:s15], $0x320  }
0x17: {  	[sflag:s15] =	ssyncset.done $0x0  }
0x18: {  	[sflag:s15] =	ssyncadd.s32 $0xFFFFFCE0  }
.LBB2_12:
0x19: {  	s23 =	sadd.s32 $0x1, s23  }
0x1a: {  	p5 =	sne.s32 s23, s14  }
.Ltmp1:
0x1b: {  	_ = 	snop;
	(pc) =	sbr.rel @!p5 .LBB2_13-.Ltmp1, $1  }
0x1c: {  	_ =	sdelay $0x3  }
.LBB2_1:
0x1d: {  	[tilespmem:s3], [sflag:$0x3] =	stream.linear.gather [hbm4b:s6+s3], $0x1400, $0x38;
	[tilespmem:$0x4BD0] =	vst v63  }
0x1e: {  	_ =	swait.ge [sflag:s15], $0x1400  }
0x1f: {  	[sflag:s15] =	ssyncset.done $0x0  }
0x20: {  	s24 =	simm.s32 $0x40;
	s25 =	simm.s32 $0x0;
	[sflag:s15] =	ssyncadd.s32 $0xFFFFEC00  }
.LBB2_2:
0x21: {  	p5 =	sne.s32 s24, $0x1FC0;
	[tilespmem:s25+$0x1BD0] =	vst v0;
	s25 =	smov.u32 s24;
	s24 =	sadd.s32 $0x40, s24  }
.Ltmp2:
0x22: {  	(pc) =	sbr.rel @p5 .LBB2_2-.Ltmp2, $2  }
0x23: {  	_ =	sdelay $0x2  }
0x24: {  	s25 =	sshra.s32 s25, $0x2  }
0x25: {  	[tilespmem:s25+$0x1BD0] =	vst v0  }
0x26: {  	[spmem:s7] =	stream.linear.scatter [tilespmem:s16], [sflag:$0x3], $0x800, $0x38;
	[tilespmem:$0x4BD0] =	vst v63  }
0x27: {  	_ =	swait.ge [sflag:s15], $0x800  }
0x28: {  	[sflag:s15] =	ssyncset.done $0x0  }
0x29: {  	[sflag:s15] =	ssyncadd.s32 $0xFFFFF800  }
0x2a: {  	[spmem:s8] =	stream.linear.scatter [tilespmem:s16], [sflag:$0x3], $0x800, $0x38;
	[tilespmem:$0x4BD0] =	vst v63  }
0x2b: {  	_ =	swait.ge [sflag:s15], $0x800  }
0x2c: {  	[sflag:s15] =	ssyncset.done $0x0  }
0x2d: {  	[sflag:s15] =	ssyncadd.s32 $0xFFFFF800  }
0x2e: {  	[spmem:s9] =	stream.linear.scatter [tilespmem:s16], [sflag:$0x3], $0x800, $0x38;
	[tilespmem:$0x4BD0] =	vst v63  }
0x2f: {  	_ =	swait.ge [sflag:s15], $0x800  }
0x30: {  	[sflag:s15] =	ssyncset.done $0x0  }
0x31: {  	[sflag:s15] =	ssyncadd.s32 $0xFFFFF800  }
0x32: {  	[spmem:s10] =	stream.linear.scatter [tilespmem:s16], [sflag:$0x3], $0x800, $0x38;
	[tilespmem:$0x4BD0] =	vst v63  }
0x33: {  	_ =	swait.ge [sflag:s15], $0x800  }
0x34: {  	[sflag:s15] =	ssyncset.done $0x0  }
0x35: {  	[sflag:s15] =	ssyncadd.s32 $0xFFFFF800  }
0x36: {  	[spmem:s11] =	stream.linear.scatter [tilespmem:s16], [sflag:$0x3], $0x800, $0x38;
	[tilespmem:$0x4BD0] =	vst v63  }
0x37: {  	_ =	swait.ge [sflag:s15], $0x800  }
0x38: {  	[sflag:s15] =	ssyncset.done $0x0  }
0x39: {  	[sflag:s15] =	ssyncadd.s32 $0xFFFFF800  }
0x3a: {  	s24 =	simm.s32 $0x40;
	s25 =	simm.s32 $0x0;
	[bflag:$0x0] =	sbarrier.arrive $0xFFFF  }
.LBB2_4:
0x3b: {  	p5 =	sne.s32 s24, $0x1F00;
	[tilespmem:s25+$0x1400] =	vst v1;
	s25 =	smov.u32 s24;
	s24 =	sadd.s32 $0x40, s24  }
.Ltmp3:
0x3c: {  	(pc) =	sbr.rel @p5 .LBB2_4-.Ltmp3, $2  }
0x3d: {  	_ =	sdelay $0x2  }
0x3e: {  	s25 =	sshra.s32 s25, $0x2  }
0x3f: {  	[tilespmem:s25+$0x1400] =	vst v1  }
0x40: {  	[spmem:s2] =	stream.indirect.scatter.add.f32 [tilespmem:s18], [sflag:$0x1], $0x10, s3, s17, $0xb8;
	[tilespmem:$0x4BD0] =	vst v63  }
0x41: {  	s24 =	simm.s32 $0x80  }
0x42: {  	[spmem:s2] =	stream.indirect.scatter.add.f32 [tilespmem:s18], [sflag:$0x2], $0x10, s24, s17, $0xb8;
	[tilespmem:$0x4BD0] =	vst v63  }
0x43: {  	_ =	swait.ge [sflag:s19], $0x7D0  }
0x44: {  	[sflag:s19] =	ssyncset.done $0x0  }
0x45: {  	s31 =	simm.s32 $0x100;
	[sflag:s19] =	ssyncadd.s32 $0xFFFFF830  }
0x46: {  	[spmem:s2] =	stream.indirect.scatter.add.f32 [tilespmem:s18], [sflag:$0x1], $0x10, s31, s17, $0xb8;
	[tilespmem:$0x4BD0] =	vst v63  }
0x47: {  	_ =	swait.ge [sflag:s20], $0x7D0  }
0x48: {  	s25 =	simm.s32 $0xFFFFBC00;
	s24 =	simm.s32 $0xFFFFEE00;
	[sflag:s20] =	ssyncset.done $0x0  }
.LBB2_6:
0x49: {  	s26 =	sadd.s32 $0x1380, s24  }
0x4a: {  	[sflag:s20] =	ssyncadd.s32 $0xFFFFF830;
	s28 =	smov.u32 s25;
	s29 =	sadd.s32 $0x400, s25  }
0x4b: {  	[spmem:s2] =	stream.indirect.scatter.add.f32 [tilespmem:s18], [sflag:$0x2], $0x10, s26, s17, $0xb8;
	[tilespmem:$0x4BD0] =	vst v63  }
0x4c: {  	p5 =	sne.s32 s25, $0xFFFFFC00;
	_ =	swait.ge [sflag:s19], $0x7D0  }
.Ltmp4:
0x4d: {  	[sflag:s19] =	ssyncset.done $0x0;
	(pc) =	sbr.rel @p5 .LBB2_6-.Ltmp4, $4  }
0x4e: {  	s24 =	sadd.s32 $0x1400, s24;
	[sflag:s19] =	ssyncadd.s32 $0xFFFFF830  }
0x4f: {  	[spmem:s2] =	stream.indirect.scatter.add.f32 [tilespmem:s18], [sflag:$0x1], $0x10, s24, s17, $0xb8;
	[tilespmem:$0x4BD0] =	vst v63  }
0x50: {  	_ =	swait.ge [sflag:s20], $0x7D0  }
0x51: {  	s25 =	smov.u32 s29;
	s24 =	sshra.s32 s28, $0x2;
	[sflag:s20] =	ssyncset.done $0x0  }
0x52: {  	s25 =	sadd.s32 $0x1380, s24;
	[sflag:s20] =	ssyncadd.s32 $0xFFFFF830  }
0x53: {  	[spmem:s2] =	stream.indirect.scatter.add.f32 [tilespmem:s18], [sflag:$0x2], $0x10, s25, s17, $0xb8;
	[tilespmem:$0x4BD0] =	vst v63  }
0x54: {  	_ =	swait.ge [sflag:s19], $0x7D0  }
0x55: {  	[sflag:s19] =	ssyncset.done $0x0  }
0x56: {  	s31 =	sadd.s32 $0x1400, s24;
	[sflag:s19] =	ssyncadd.s32 $0xFFFFF830  }
0x57: {  	[spmem:s2] =	stream.indirect.scatter.add.f32 [tilespmem:s18], [sflag:$0x1], $0x10, s31, s17, $0xb8;
	[tilespmem:$0x4BD0] =	vst v63  }
0x58: {  	_ =	swait.ge [sflag:s20], $0x7D0  }
0x59: {  	[sflag:s20] =	ssyncset.done $0x0  }
0x5a: {  	[sflag:s20] =	ssyncadd.s32 $0xFFFFF830  }
0x5b: {  	[spmem:s2] =	stream.indirect.scatter.add.f32 [tilespmem:s18], [sflag:$0x2], $0x10, s21, s17, $0xb8;
	[tilespmem:$0x4BD0] =	vst v63  }
0x5c: {  	_ =	swait.ge [sflag:s19], $0x7D0  }
0x5d: {  	[sflag:s19] =	ssyncset.done $0x0  }
0x5e: {  	[sflag:s19] =	ssyncadd.s32 $0xFFFFF830  }
.Ltmp5:
0x5f: {  	_ =	swait.ge [sflag:s20], $0x7D0;
	(pc) =	sbr.rel @!p1 .LBB2_9-.Ltmp5, $3  }
0x60: {  	[sflag:s20] =	ssyncset.done $0x0  }
0x61: {  	[sflag:s20] =	ssyncadd.s32 $0xFFFFF830  }
0x62: {  	[bflag:$0x0] =	sbarrier.arrive $0xFFFF;
	_ =	sdelay $0x1  }
0x63: {  	s24 =	sshll.u32 s1, $0x6  }
.Ltmp6:
0x64: {  	s25 =	sshrl.u32 s7, $0x3;
	s24 =	sor.u32 $0x1C03, s24;
	(pc) =	sbr.rel .LBB2_10-.Ltmp6, $4  }
0x65: {  	[hbm:s12], [sflag:s24] =	dma.local [spmem:s25], $0x500  }
0x66: {  	_ =	swait.ge [sflag:s15], $0x500  }
0x67: {  	[sflag:s15] =	ssyncset.done $0x0  }
0x68: {  	p5 =	por $0x0, $0x0;
	[sflag:s15] =	ssyncadd.s32 $0xFFFFFB00  }
.LBB2_9:
.Ltmp7:
0x69: {  	(pc) =	sbr.rel @p2 .LBB2_11-.Ltmp7, $2  }
0x6a: {  	_ =	sdelay $0x2  }
0x6b: {  	s25 =	simm.s32 $0xF;
	p5 =	por p0, p0;
	s24 =	smov.u32 s4  }
.LBB2_10:
0x6c: {  	s24 =	sshll.u32 @p4 s1, $0x6;
	p6 =	por @p4 $0x1, $0x1  }
0x6d: {  	s25 =	sshrl.u32 @p4 s7, $0x3;
	s24 =	sor.u32 @p4 $0x1C03, s24;
	p6 =	por @!p4 p3, p3  }
0x6e: {  	[hbm:s13], [sflag:s24] =	dma.local @p4 [spmem:s25], $0x500  }
0x6f: {  	p5 =	por !p6, !p5  }
0x70: {  	p5 =	por !p5, !p5  }
.Ltmp8:
0x71: {  	_ = 	snop;
	(pc) =	sbr.rel @!p5 .LBB2_12-.Ltmp8, $4  }
.Ltmp9:
0x72: {  	s24 =	simm.s32 @p4 $0x3;
	(pc) =	sbr.rel @p5 .LBB2_11-.Ltmp9, $4  }
0x73: {  	_ =	swait.ge @p4 [sflag:s24], $0x500  }
0x74: {  	[sflag:s24] =	ssyncset.done @p4 $0x0  }
0x75: {  	s25 =	stileid.u32;
	[sflag:s24] =	ssyncadd.s32 @p4 $0xFFFFFB00;
	s24 =	smov.u32 s5  }
0x76: {  	_ = 	snop  }
.LBB2_13:
0x77: {  	_ =	sfence.sel $0x180000  }
0x78: {  	[bflag:$0x0] =	sbarrier.arrive $0xFFFF  }
0x79: {  	p0 =	sne.s32 s1, $0x0;
	_ =	strace $0x90000047  }
0x7a: {  	s0 =	sadd.s32 @!p0 $0x100000, s0;
	[bflag:$0x2] =	sbarrier.arrive $0xFFFF  }
0x7b: {  	[sflag:s0] =	ssyncadd.tile.s32 @!p0 $0x1;
	_ =	shalt  }
.Lfunc_end2:
_tile_overlayer_lowered:
.L_overlay_start_2:
0x7c: {  	(tag) =	ssettag $0x2  }
0x7d: {  	s0 =	rddreg [dreg:$0x0];
	s2 =	stileid.u32  }
0x7e: {  	s1 =	rddreg [dreg:$0x1];
	p0 =	sne.s32 s2, $0x0  }
0x7f: {  	s3 =	rddreg [dreg:$0x2];
	[bflag:$0x3] =	sbarrier.arrive $0xFFFF;
	s2 =	simm.s32 @!p0 $0x1C03  }
0x80: {  	[timem:s3], [sflag:s2] =	dma.local @!p0 [hbm:s0], s1  }
0x81: {  	s0 =	simm.s32 @!p0 $0x3  }
0x82: {  	_ =	swait.ge @!p0 [sflag:s0], s1  }
0x83: {  	s1 =	ssub.s32 @!p0 $0x0, s1;
	[sflag:s0] =	ssyncset.done @!p0 $0x0  }
0x84: {  	[sflag:s0] =	ssyncadd.s32 @!p0 s1  }
0x85: {  	[bflag:$0x3] =	sbarrier.arrive $0xFFFF  }
0x86: {  	_ =	shalt  }

</sc_bundles>
